<compile_context>
chip_gen: v7x
topology: tpu7x:2x2x1
jax: 0.10.2.dev20260603
libtpu: 0.0.44.dev20260713+nightly
codegen_flags: <defaults>
</compile_context>

<pallas_src>
import functools

import jax
import jax.numpy as jnp
from jax import lax
from jax.experimental import pallas as pl
from jax.experimental.pallas import tpu as pltpu
from jax.experimental.pallas import tpu_sc as plsc

L = 16
NC = 2
NS = 16
NW = NC * NS
NROW = 200
NCOL = 16384
NCLASS = 26

SC_COLS = 12288
TC_COLS = NCOL - SC_COLS
COLS_W = SC_COLS // NW
CCHUNK = 128
NCHUNK = COLS_W // CCHUNK
NVEC = CCHUNK // L
NACC = 4
TC_BLOCK = 512
TC_GRID = TC_COLS // TC_BLOCK

_mesh = plsc.VectorSubcoreMesh(core_axis_name="c", subcore_axis_name="s")


@functools.partial(
    pl.kernel,
    mesh=_mesh,
    out_type=jax.ShapeDtypeStruct((NW, L), jnp.float32),
    compiler_params=pltpu.CompilerParams(needs_layout_passes=False),
    scratch_types=[
        pltpu.VMEM((2 * L,), jnp.float32),
        pltpu.VMEM((2, NROW, CCHUNK), jnp.float32),
        pltpu.VMEM((2, NROW, CCHUNK), jnp.int32),
        pltpu.VMEM((L,), jnp.float32),
        pltpu.SemaphoreType.DMA,
        pltpu.SemaphoreType.DMA,
    ],
)
def _wae_sc(x_hbm, t_hbm, cw_hbm, out_hbm, table_v, xb, tb, pv, sem0, sem1):
    wid = lax.axis_index("s") * NC + lax.axis_index("c")
    base = wid * COLS_W
    sems = (sem0, sem1)

    pltpu.sync_copy(cw_hbm, table_v.at[pl.ds(0, NCLASS)])

    def start(c):
        b = c % 2
        src = pl.ds(base + c * CCHUNK, CCHUNK)
        return (
            pltpu.async_copy(x_hbm.at[:, src], xb.at[b], sems[b]),
            pltpu.async_copy(t_hbm.at[:, src], tb.at[b], sems[b]),
        )

    inflight = start(0)
    accs = (jnp.zeros((L,), jnp.float32),) * NACC
    for c in range(NCHUNK):
        for h in inflight:
            h.wait()
        if c + 1 < NCHUNK:
            inflight = start(c + 1)
        b = c % 2

        def body(r, a):
            a = list(a)
            for j in range(NVEC):
                s = pl.ds(j * L, L)
                xv = xb[b, r, s]
                tv = tb[b, r, s]
                w = plsc.load_gather(table_v, [tv])
                wd = w * jnp.abs(xv - tv.astype(jnp.float32))
                a[j % NACC] = a[j % NACC] + wd
            return tuple(a)

        accs = plsc.parallel_loop(0, NROW, 1, unroll=1, carry=accs)(body)

    pv[...] = accs[0] + accs[1] + accs[2] + accs[3]
    pltpu.sync_copy(pv, out_hbm.at[wid])


def _wae_tc_body(x_ref, t_ref, cw_ref, out_ref):
    j = pl.program_id(0)
    x = x_ref[...]
    t = t_ref[...]
    d = jnp.abs(x - t.astype(jnp.float32))
    cw = cw_ref[...]
    w = jnp.zeros_like(d)
    for k in range(NCLASS):
        w = jnp.where(t == k, cw[k], w)
    s = jnp.sum(w * d)

    @pl.when(j == 0)
    def _():
        out_ref[0, 0] = 0.0

    out_ref[0, 0] += s


_wae_tc = pl.pallas_call(
    _wae_tc_body,
    grid=(TC_GRID,),
    in_specs=[
        pl.BlockSpec((NROW, TC_BLOCK), lambda j: (0, SC_COLS // TC_BLOCK + j)),
        pl.BlockSpec((NROW, TC_BLOCK), lambda j: (0, SC_COLS // TC_BLOCK + j)),
        pl.BlockSpec((NCLASS,), lambda j: (0,)),
    ],
    out_specs=pl.BlockSpec(memory_space=pltpu.SMEM),
    out_shape=jax.ShapeDtypeStruct((1, 1), jnp.float32),
)


def kernel(inputs, targets, class_weights):
    xt = inputs.T
    tt = targets.astype(jnp.int32).T
    sc_partials = _wae_sc(xt, tt, class_weights)
    tc_partial = _wae_tc(xt, tt, class_weights)
    m = jnp.sum(class_weights > 0).astype(jnp.float32)
    C = jnp.where(m > 0, 1.0 / m, 1.0)
    return C * (jnp.sum(sc_partials) + tc_partial[0, 0])

# --- scband reference (transcript-rebuilt; emitter-appended) ---
"""Pipeline reference for scband-weighted-ae-3186865734374 (READ-ONLY COPY).

The authoritative reference and input builder live on the scoring server;
editing this copy changes nothing except your own understanding.
"""

import jax, jax.numpy as jnp
import numpy as np

CLASS_WEIGHTS = np.array([1.0, 0.5, 2.0, 1.5, 0.25, 3.0, 1.0, 0.75, 2.5, 1.25, 0.5, 1.0, 2.0, 0.8, 1.6, 0.4, 1.2, 2.2, 0.9, 1.1, 0.6, 1.8, 0.3, 1.4, 2.8, 0.7], dtype=np.float32)

def setup_inputs(seed: int = 0) -> dict:
    key = jax.random.key(seed)
    k1, k2 = jax.random.split(key)
    inputs = jax.random.normal(k1, (16384, 200), dtype=jnp.float32)
    targets = jax.random.randint(k2, (16384, 200), 0, 26, dtype=jnp.int64)
    class_weights = jnp.asarray(CLASS_WEIGHTS)
    return {"inputs": inputs, "targets": targets, "class_weights": class_weights}

def reference(inputs, targets, class_weights):
    # C computed at __init__ in the torch module: 1/m where m = #positive weights
    m = jnp.sum(class_weights > 0).astype(jnp.float32)
    C = jnp.where(m > 0, 1.0 / m, 1.0)
    targets = targets.astype(jnp.int32)
    w = jnp.take(class_weights, targets, axis=0)  # gather per-element class weight
    errors = C * w * jnp.abs(inputs - targets.astype(inputs.dtype))
    return errors.sum()

if __name__ == "__main__":
    import jax
    _d = setup_inputs()
    print(jax.jit(kernel)(*tuple(_d.values())))

</pallas_src>

<mosaic_0001>
#map = affine_map<(d0, d1) -> (0, 0)>
#map1 = affine_map<(d0, d1) -> (0)>
module attributes {stable_mosaic.version = 14 : i64} {
  func.func @_wae_sc(%arg0: i32, %arg1: i32, %arg2: memref<200x16384xf32, #tpu.memory_space<hbm>>, %arg3: memref<200x16384xi32, #tpu.memory_space<hbm>>, %arg4: memref<26xf32, #tpu.memory_space<hbm>>, %arg5: memref<32x16xf32, #tpu.memory_space<hbm>>, %arg6: memref<32xf32, #tpu.memory_space<vmem>>, %arg7: memref<2x200x128xf32, #tpu.memory_space<vmem>>, %arg8: memref<2x200x128xi32, #tpu.memory_space<vmem>>, %arg9: memref<16xf32, #tpu.memory_space<vmem>>, %arg10: memref<!tpu.dma_semaphore, #tpu.memory_space<semaphore_mem>>, %arg11: memref<!tpu.dma_semaphore, #tpu.memory_space<semaphore_mem>>) attributes {dimension_semantics = [#tpu.dimension_semantics<core_parallel>, #tpu.dimension_semantics<subcore_parallel>], iteration_bounds = array<i64: 2, 16>, scalar_prefetch = 0 : i64, scratch_operands = 6 : i64, tpu.core_type = #tpu.core_type<sc_vector_subcore>, window_params = [{transform_indices = #map}, {transform_indices = #map}, {transform_indices = #map1}, {transform_indices = #map}]} {
    %mul3A = arith.constant 2 : i32
    %mul3A_0 = arith.muli %arg1, %mul3A : i32
    %add3A = arith.addi %mul3A_0, %arg0 : i32
    %mul3A_1 = arith.constant 384 : i32
    %mul3A_2 = arith.muli %add3A, %mul3A_1 : i32
    "tpu.region"() ({
      %run_scoped3A = tpu.sem_alloc : memref<!tpu.dma_semaphore, #tpu.memory_space<semaphore_mem>>
      %dma_start3A_179 = arith.constant 0 : i32
      %dma_start3A_180 = tpu.memref_slice %arg6[%dma_start3A_179] : memref<32xf32, #tpu.memory_space<vmem>> -> memref<26xf32, #tpu.memory_space<vmem>>
      %dma_start3A_181 = arith.constant 0 : i32
      %dma_start3A_182 = tpu.memref_slice %arg6[%dma_start3A_181] : memref<32xf32, #tpu.memory_space<vmem>> -> memref<26xf32, #tpu.memory_space<vmem>>
      tpu.enqueue_dma source(%arg4 : memref<26xf32, #tpu.memory_space<hbm>>) target(%dma_start3A_182 : memref<26xf32, #tpu.memory_space<vmem>>) target_semaphore(%run_scoped3A : memref<!tpu.dma_semaphore, #tpu.memory_space<semaphore_mem>>)
      %dma_wait3A_183 = arith.constant 0 : i32
      %dma_wait3A_184 = tpu.memref_slice %arg6[%dma_wait3A_183] : memref<32xf32, #tpu.memory_space<vmem>> -> memref<26xf32, #tpu.memory_space<vmem>>
      %dma_wait3A_185 = arith.constant 0 : i32
      %dma_wait3A_186 = tpu.memref_slice %arg6[%dma_wait3A_185] : memref<32xf32, #tpu.memory_space<vmem>> -> memref<26xf32, #tpu.memory_space<vmem>>
      tpu.wait_dma2 semaphore(%run_scoped3A : memref<!tpu.dma_semaphore, #tpu.memory_space<semaphore_mem>>) src(%arg4 : memref<26xf32, #tpu.memory_space<hbm>>) dst(%dma_wait3A_186 : memref<26xf32, #tpu.memory_space<vmem>>)
      tpu.yield
    }) : () -> ()
    %add3A_3 = arith.constant 0 : i32
    %add3A_4 = arith.addi %mul3A_2, %add3A_3 : i32
    %dma_start3A = arith.constant 0 : i32
    %dma_start3A_5 = arith.constant 0 : i32
    %dma_start3A_6 = arith.constant 0 : i32
    %dma_start3A_7 = tpu.memref_slice %arg7[%dma_start3A, %dma_start3A_5, %dma_start3A_6] : memref<2x200x128xf32, #tpu.memory_space<vmem>> -> memref<1x200x128xf32, #tpu.memory_space<vmem>>
    %dma_start3A_8 = tpu.memref_squeeze %dma_start3A_7 : memref<1x200x128xf32, #tpu.memory_space<vmem>> -> memref<200x128xf32, #tpu.memory_space<vmem>>
    %dma_start3A_9 = arith.constant 0 : i32
    %dma_start3A_10 = tpu.memref_slice %arg2[%dma_start3A_9, %add3A_4] : memref<200x16384xf32, #tpu.memory_space<hbm>> -> memref<200x128xf32, #tpu.memory_space<hbm>>
    %dma_start3A_11 = arith.constant 0 : i32
    %dma_start3A_12 = arith.constant 0 : i32
    %dma_start3A_13 = tpu.memref_slice %arg7[%dma_start3A, %dma_start3A_11, %dma_start3A_12] : memref<2x200x128xf32, #tpu.memory_space<vmem>> -> memref<1x200x128xf32, #tpu.memory_space<vmem>>
    %dma_start3A_14 = tpu.memref_squeeze %dma_start3A_13 : memref<1x200x128xf32, #tpu.memory_space<vmem>> -> memref<200x128xf32, #tpu.memory_space<vmem>>
    %dma_start3A_15 = arith.constant 0 : i32
    %dma_start3A_16 = tpu.memref_slice %arg2[%dma_start3A_15, %add3A_4] : memref<200x16384xf32, #tpu.memory_space<hbm>> -> memref<200x128xf32, #tpu.memory_space<hbm>>
    tpu.enqueue_dma source(%dma_start3A_16 : memref<200x128xf32, #tpu.memory_space<hbm>>) target(%dma_start3A_14 : memref<200x128xf32, #tpu.memory_space<vmem>>) target_semaphore(%arg10 : memref<!tpu.dma_semaphore, #tpu.memory_space<semaphore_mem>>)
    %dma_start3A_17 = arith.constant 0 : i32
    %dma_start3A_18 = arith.constant 0 : i32
    %dma_start3A_19 = arith.constant 0 : i32
    %dma_start3A_20 = tpu.memref_slice %arg8[%dma_start3A_17, %dma_start3A_18, %dma_start3A_19] : memref<2x200x128xi32, #tpu.memory_space<vmem>> -> memref<1x200x128xi32, #tpu.memory_space<vmem>>
    %dma_start3A_21 = tpu.memref_squeeze %dma_start3A_20 : memref<1x200x128xi32, #tpu.memory_space<vmem>> -> memref<200x128xi32, #tpu.memory_space<vmem>>
    %dma_start3A_22 = arith.constant 0 : i32
    %dma_start3A_23 = tpu.memref_slice %arg3[%dma_start3A_22, %add3A_4] : memref<200x16384xi32, #tpu.memory_space<hbm>> -> memref<200x128xi32, #tpu.memory_space<hbm>>
    %dma_start3A_24 = arith.constant 0 : i32
    %dma_start3A_25 = arith.constant 0 : i32
    %dma_start3A_26 = tpu.memref_slice %arg8[%dma_start3A_17, %dma_start3A_24, %dma_start3A_25] : memref<2x200x128xi32, #tpu.memory_space<vmem>> -> memref<1x200x128xi32, #tpu.memory_space<vmem>>
    %dma_start3A_27 = tpu.memref_squeeze %dma_start3A_26 : memref<1x200x128xi32, #tpu.memory_space<vmem>> -> memref<200x128xi32, #tpu.memory_space<vmem>>
    %dma_start3A_28 = arith.constant 0 : i32
    %dma_start3A_29 = tpu.memref_slice %arg3[%dma_start3A_28, %add3A_4] : memref<200x16384xi32, #tpu.memory_space<hbm>> -> memref<200x128xi32, #tpu.memory_space<hbm>>
    tpu.enqueue_dma source(%dma_start3A_29 : memref<200x128xi32, #tpu.memory_space<hbm>>) target(%dma_start3A_27 : memref<200x128xi32, #tpu.memory_space<vmem>>) target_semaphore(%arg10 : memref<!tpu.dma_semaphore, #tpu.memory_space<semaphore_mem>>)
    %broadcast_in_dim3A = arith.constant 0.000000e+00 : f32
    %broadcast_in_dim3A_30 = vector.broadcast %broadcast_in_dim3A : f32 to vector<16xf32>
    %dma_wait3A = arith.constant 0 : i32
    %dma_wait3A_31 = arith.constant 0 : i32
    %dma_wait3A_32 = arith.constant 0 : i32
    %dma_wait3A_33 = tpu.memref_slice %arg7[%dma_wait3A, %dma_wait3A_31, %dma_wait3A_32] : memref<2x200x128xf32, #tpu.memory_space<vmem>> -> memref<1x200x128xf32, #tpu.memory_space<vmem>>
    %dma_wait3A_34 = tpu.memref_squeeze %dma_wait3A_33 : memref<1x200x128xf32, #tpu.memory_space<vmem>> -> memref<200x128xf32, #tpu.memory_space<vmem>>
    %dma_wait3A_35 = arith.constant 0 : i32
    %dma_wait3A_36 = tpu.memref_slice %arg2[%dma_wait3A_35, %add3A_4] : memref<200x16384xf32, #tpu.memory_space<hbm>> -> memref<200x128xf32, #tpu.memory_space<hbm>>
    %dma_wait3A_37 = arith.constant 0 : i32
    %dma_wait3A_38 = arith.constant 0 : i32
    %dma_wait3A_39 = tpu.memref_slice %arg7[%dma_wait3A, %dma_wait3A_37, %dma_wait3A_38] : memref<2x200x128xf32, #tpu.memory_space<vmem>> -> memref<1x200x128xf32, #tpu.memory_space<vmem>>
    %dma_wait3A_40 = tpu.memref_squeeze %dma_wait3A_39 : memref<1x200x128xf32, #tpu.memory_space<vmem>> -> memref<200x128xf32, #tpu.memory_space<vmem>>
    %dma_wait3A_41 = arith.constant 0 : i32
    %dma_wait3A_42 = tpu.memref_slice %arg2[%dma_wait3A_41, %add3A_4] : memref<200x16384xf32, #tpu.memory_space<hbm>> -> memref<200x128xf32, #tpu.memory_space<hbm>>
    tpu.wait_dma2 semaphore(%arg10 : memref<!tpu.dma_semaphore, #tpu.memory_space<semaphore_mem>>) src(%dma_wait3A_42 : memref<200x128xf32, #tpu.memory_space<hbm>>) dst(%dma_wait3A_40 : memref<200x128xf32, #tpu.memory_space<vmem>>)
    %dma_wait3A_43 = arith.constant 0 : i32
    %dma_wait3A_44 = arith.constant 0 : i32
    %dma_wait3A_45 = arith.constant 0 : i32
    %dma_wait3A_46 = tpu.memref_slice %arg8[%dma_wait3A_43, %dma_wait3A_44, %dma_wait3A_45] : memref<2x200x128xi32, #tpu.memory_space<vmem>> -> memref<1x200x128xi32, #tpu.memory_space<vmem>>
    %dma_wait3A_47 = tpu.memref_squeeze %dma_wait3A_46 : memref<1x200x128xi32, #tpu.memory_space<vmem>> -> memref<200x128xi32, #tpu.memory_space<vmem>>
    %dma_wait3A_48 = arith.constant 0 : i32
    %dma_wait3A_49 = tpu.memref_slice %arg3[%dma_wait3A_48, %add3A_4] : memref<200x16384xi32, #tpu.memory_space<hbm>> -> memref<200x128xi32, #tpu.memory_space<hbm>>
    %dma_wait3A_50 = arith.constant 0 : i32
    %dma_wait3A_51 = arith.constant 0 : i32
    %dma_wait3A_52 = tpu.memref_slice %arg8[%dma_wait3A_43, %dma_wait3A_50, %dma_wait3A_51] : memref<2x200x128xi32, #tpu.memory_space<vmem>> -> memref<1x200x128xi32, #tpu.memory_space<vmem>>
    %dma_wait3A_53 = tpu.memref_squeeze %dma_wait3A_52 : memref<1x200x128xi32, #tpu.memory_space<vmem>> -> memref<200x128xi32, #tpu.memory_space<vmem>>
    %dma_wait3A_54 = arith.constant 0 : i32
    %dma_wait3A_55 = tpu.memref_slice %arg3[%dma_wait3A_54, %add3A_4] : memref<200x16384xi32, #tpu.memory_space<hbm>> -> memref<200x128xi32, #tpu.memory_space<hbm>>
    tpu.wait_dma2 semaphore(%arg10 : memref<!tpu.dma_semaphore, #tpu.memory_space<semaphore_mem>>) src(%dma_wait3A_55 : memref<200x128xi32, #tpu.memory_space<hbm>>) dst(%dma_wait3A_53 : memref<200x128xi32, #tpu.memory_space<vmem>>)
    %add3A_56 = arith.constant 128 : i32
    %add3A_57 = arith.addi %mul3A_2, %add3A_56 : i32
    %dma_start3A_58 = arith.constant 1 : i32
    %dma_start3A_59 = arith.constant 0 : i32
    %dma_start3A_60 = arith.constant 0 : i32
    %dma_start3A_61 = tpu.memref_slice %arg7[%dma_start3A_58, %dma_start3A_59, %dma_start3A_60] : memref<2x200x128xf32, #tpu.memory_space<vmem>> -> memref<1x200x128xf32, #tpu.memory_space<vmem>>
    %dma_start3A_62 = tpu.memref_squeeze %dma_start3A_61 : memref<1x200x128xf32, #tpu.memory_space<vmem>> -> memref<200x128xf32, #tpu.memory_space<vmem>>
    %dma_start3A_63 = arith.constant 0 : i32
    %dma_start3A_64 = tpu.memref_slice %arg2[%dma_start3A_63, %add3A_57] : memref<200x16384xf32, #tpu.memory_space<hbm>> -> memref<200x128xf32, #tpu.memory_space<hbm>>
    %dma_start3A_65 = arith.constant 0 : i32
    %dma_start3A_66 = arith.constant 0 : i32
    %dma_start3A_67 = tpu.memref_slice %arg7[%dma_start3A_58, %dma_start3A_65, %dma_start3A_66] : memref<2x200x128xf32, #tpu.memory_space<vmem>> -> memref<1x200x128xf32, #tpu.memory_space<vmem>>
    %dma_start3A_68 = tpu.memref_squeeze %dma_start3A_67 : memref<1x200x128xf32, #tpu.memory_space<vmem>> -> memref<200x128xf32, #tpu.memory_space<vmem>>
    %dma_start3A_69 = arith.constant 0 : i32
    %dma_start3A_70 = tpu.memref_slice %arg2[%dma_start3A_69, %add3A_57] : memref<200x16384xf32, #tpu.memory_space<hbm>> -> memref<200x128xf32, #tpu.memory_space<hbm>>
    tpu.enqueue_dma source(%dma_start3A_70 : memref<200x128xf32, #tpu.memory_space<hbm>>) target(%dma_start3A_68 : memref<200x128xf32, #tpu.memory_space<vmem>>) target_semaphore(%arg11 : memref<!tpu.dma_semaphore, #tpu.memory_space<semaphore_mem>>)
    %dma_start3A_71 = arith.constant 1 : i32
    %dma_start3A_72 = arith.constant 0 : i32
    %dma_start3A_73 = arith.constant 0 : i32
    %dma_start3A_74 = tpu.memref_slice %arg8[%dma_start3A_71, %dma_start3A_72, %dma_start3A_73] : memref<2x200x128xi32, #tpu.memory_space<vmem>> -> memref<1x200x128xi32, #tpu.memory_space<vmem>>
    %dma_start3A_75 = tpu.memref_squeeze %dma_start3A_74 : memref<1x200x128xi32, #tpu.memory_space<vmem>> -> memref<200x128xi32, #tpu.memory_space<vmem>>
    %dma_start3A_76 = arith.constant 0 : i32
    %dma_start3A_77 = tpu.memref_slice %arg3[%dma_start3A_76, %add3A_57] : memref<200x16384xi32, #tpu.memory_space<hbm>> -> memref<200x128xi32, #tpu.memory_space<hbm>>
    %dma_start3A_78 = arith.constant 0 : i32
    %dma_start3A_79 = arith.constant 0 : i32
    %dma_start3A_80 = tpu.memref_slice %arg8[%dma_start3A_71, %dma_start3A_78, %dma_start3A_79] : memref<2x200x128xi32, #tpu.memory_space<vmem>> -> memref<1x200x128xi32, #tpu.memory_space<vmem>>
    %dma_start3A_81 = tpu.memref_squeeze %dma_start3A_80 : memref<1x200x128xi32, #tpu.memory_space<vmem>> -> memref<200x128xi32, #tpu.memory_space<vmem>>
    %dma_start3A_82 = arith.constant 0 : i32
    %dma_start3A_83 = tpu.memref_slice %arg3[%dma_start3A_82, %add3A_57] : memref<200x16384xi32, #tpu.memory_space<hbm>> -> memref<200x128xi32, #tpu.memory_space<hbm>>
    tpu.enqueue_dma source(%dma_start3A_83 : memref<200x128xi32, #tpu.memory_space<hbm>>) target(%dma_start3A_81 : memref<200x128xi32, #tpu.memory_space<vmem>>) target_semaphore(%arg11 : memref<!tpu.dma_semaphore, #tpu.memory_space<semaphore_mem>>)
    %parallel_loop3A = arith.constant 0 : i32
    %parallel_loop3A_84 = arith.constant 200 : i32
    %parallel_loop3A_85 = arith.constant 1 : i32
    %parallel_loop3A_86:4 = scf.for %parallel_loop3A_179 = %parallel_loop3A to %parallel_loop3A_84 step %parallel_loop3A_85 iter_args(%parallel_loop3A_180 = %broadcast_in_dim3A_30, %parallel_loop3A_181 = %broadcast_in_dim3A_30, %parallel_loop3A_182 = %broadcast_in_dim3A_30, %parallel_loop3A_183 = %broadcast_in_dim3A_30) -> (vector<16xf32>, vector<16xf32>, vector<16xf32>, vector<16xf32>)  : i32 {
      %parallel_loop3A_184 = arith.constant 0 : i32
      %parallel_loop3A_185 = arith.index_cast %parallel_loop3A_184 : i32 to index
      %parallel_loop3A_186 = arith.index_cast %parallel_loop3A_179 : i32 to index
      %parallel_loop3A_187 = arith.constant 0 : index
      %parallel_loop3A_188 = tpu.vector_load %arg7[%parallel_loop3A_185, %parallel_loop3A_186, %parallel_loop3A_187] {strides = array<i32>} : memref<2x200x128xf32, #tpu.memory_space<vmem>>, vector<16xf32>,
      %parallel_loop3A_189 = arith.constant 0 : i32
      %parallel_loop3A_190 = arith.index_cast %parallel_loop3A_189 : i32 to index
      %parallel_loop3A_191 = arith.index_cast %parallel_loop3A_179 : i32 to index
      %parallel_loop3A_192 = arith.constant 0 : index
      %parallel_loop3A_193 = tpu.vector_load %arg8[%parallel_loop3A_190, %parallel_loop3A_191, %parallel_loop3A_192] {strides = array<i32>} : memref<2x200x128xi32, #tpu.memory_space<vmem>>, vector<16xi32>,
      %parallel_loop3A_194 = tpu.vector_load_idx %arg6[%parallel_loop3A_193] : memref<32xf32, #tpu.memory_space<vmem>>[vector<16xi32>], vector<16xf32>,
      %parallel_loop3A_195 = arith.sitofp %parallel_loop3A_193 : vector<16xi32> to vector<16xf32>
      %parallel_loop3A_196 = arith.subf %parallel_loop3A_188, %parallel_loop3A_195 : vector<16xf32>
      %parallel_loop3A_197 = math.absf %parallel_loop3A_196 : vector<16xf32>
      %parallel_loop3A_198 = arith.mulf %parallel_loop3A_194, %parallel_loop3A_197 : vector<16xf32>
      %parallel_loop3A_199 = arith.addf %parallel_loop3A_180, %parallel_loop3A_198 : vector<16xf32>
      %parallel_loop3A_200 = arith.constant 0 : i32
      %parallel_loop3A_201 = arith.index_cast %parallel_loop3A_200 : i32 to index
      %parallel_loop3A_202 = arith.index_cast %parallel_loop3A_179 : i32 to index
      %parallel_loop3A_203 = arith.constant 16 : index
      %parallel_loop3A_204 = tpu.vector_load %arg7[%parallel_loop3A_201, %parallel_loop3A_202, %parallel_loop3A_203] {strides = array<i32>} : memref<2x200x128xf32, #tpu.memory_space<vmem>>, vector<16xf32>,
      %parallel_loop3A_205 = arith.constant 0 : i32
      %parallel_loop3A_206 = arith.index_cast %parallel_loop3A_205 : i32 to index
      %parallel_loop3A_207 = arith.index_cast %parallel_loop3A_179 : i32 to index
      %parallel_loop3A_208 = arith.constant 16 : index
      %parallel_loop3A_209 = tpu.vector_load %arg8[%parallel_loop3A_206, %parallel_loop3A_207, %parallel_loop3A_208] {strides = array<i32>} : memref<2x200x128xi32, #tpu.memory_space<vmem>>, vector<16xi32>,
      %parallel_loop3A_210 = tpu.vector_load_idx %arg6[%parallel_loop3A_209] : memref<32xf32, #tpu.memory_space<vmem>>[vector<16xi32>], vector<16xf32>,
      %parallel_loop3A_211 = arith.sitofp %parallel_loop3A_209 : vector<16xi32> to vector<16xf32>
      %parallel_loop3A_212 = arith.subf %parallel_loop3A_204, %parallel_loop3A_211 : vector<16xf32>
      %parallel_loop3A_213 = math.absf %parallel_loop3A_212 : vector<16xf32>
      %parallel_loop3A_214 = arith.mulf %parallel_loop3A_210, %parallel_loop3A_213 : vector<16xf32>
      %parallel_loop3A_215 = arith.addf %parallel_loop3A_181, %parallel_loop3A_214 : vector<16xf32>
      %parallel_loop3A_216 = arith.constant 0 : i32
      %parallel_loop3A_217 = arith.index_cast %parallel_loop3A_216 : i32 to index
      %parallel_loop3A_218 = arith.index_cast %parallel_loop3A_179 : i32 to index
      %parallel_loop3A_219 = arith.constant 32 : index
      %parallel_loop3A_220 = tpu.vector_load %arg7[%parallel_loop3A_217, %parallel_loop3A_218, %parallel_loop3A_219] {strides = array<i32>} : memref<2x200x128xf32, #tpu.memory_space<vmem>>, vector<16xf32>,
      %parallel_loop3A_221 = arith.constant 0 : i32
      %parallel_loop3A_222 = arith.index_cast %parallel_loop3A_221 : i32 to index
      %parallel_loop3A_223 = arith.index_cast %parallel_loop3A_179 : i32 to index
      %parallel_loop3A_224 = arith.constant 32 : index
      %parallel_loop3A_225 = tpu.vector_load %arg8[%parallel_loop3A_222, %parallel_loop3A_223, %parallel_loop3A_224] {strides = array<i32>} : memref<2x200x128xi32, #tpu.memory_space<vmem>>, vector<16xi32>,
      %parallel_loop3A_226 = tpu.vector_load_idx %arg6[%parallel_loop3A_225] : memref<32xf32, #tpu.memory_space<vmem>>[vector<16xi32>], vector<16xf32>,
      %parallel_loop3A_227 = arith.sitofp %parallel_loop3A_225 : vector<16xi32> to vector<16xf32>
      %parallel_loop3A_228 = arith.subf %parallel_loop3A_220, %parallel_loop3A_227 : vector<16xf32>
      %parallel_loop3A_229 = math.absf %parallel_loop3A_228 : vector<16xf32>
      %parallel_loop3A_230 = arith.mulf %parallel_loop3A_226, %parallel_loop3A_229 : vector<16xf32>
      %parallel_loop3A_231 = arith.addf %parallel_loop3A_182, %parallel_loop3A_230 : vector<16xf32>
      %parallel_loop3A_232 = arith.constant 0 : i32
      %parallel_loop3A_233 = arith.index_cast %parallel_loop3A_232 : i32 to index
      %parallel_loop3A_234 = arith.index_cast %parallel_loop3A_179 : i32 to index
      %parallel_loop3A_235 = arith.constant 48 : index
      %parallel_loop3A_236 = tpu.vector_load %arg7[%parallel_loop3A_233, %parallel_loop3A_234, %parallel_loop3A_235] {strides = array<i32>} : memref<2x200x128xf32, #tpu.memory_space<vmem>>, vector<16xf32>,
      %parallel_loop3A_237 = arith.constant 0 : i32
      %parallel_loop3A_238 = arith.index_cast %parallel_loop3A_237 : i32 to index
      %parallel_loop3A_239 = arith.index_cast %parallel_loop3A_179 : i32 to index
      %parallel_loop3A_240 = arith.constant 48 : index
      %parallel_loop3A_241 = tpu.vector_load %arg8[%parallel_loop3A_238, %parallel_loop3A_239, %parallel_loop3A_240] {strides = array<i32>} : memref<2x200x128xi32, #tpu.memory_space<vmem>>, vector<16xi32>,
      %parallel_loop3A_242 = tpu.vector_load_idx %arg6[%parallel_loop3A_241] : memref<32xf32, #tpu.memory_space<vmem>>[vector<16xi32>], vector<16xf32>,
      %parallel_loop3A_243 = arith.sitofp %parallel_loop3A_241 : vector<16xi32> to vector<16xf32>
      %parallel_loop3A_244 = arith.subf %parallel_loop3A_236, %parallel_loop3A_243 : vector<16xf32>
      %parallel_loop3A_245 = math.absf %parallel_loop3A_244 : vector<16xf32>
      %parallel_loop3A_246 = arith.mulf %parallel_loop3A_242, %parallel_loop3A_245 : vector<16xf32>
      %parallel_loop3A_247 = arith.addf %parallel_loop3A_183, %parallel_loop3A_246 : vector<16xf32>
      %parallel_loop3A_248 = arith.constant 0 : i32
      %parallel_loop3A_249 = arith.index_cast %parallel_loop3A_248 : i32 to index
      %parallel_loop3A_250 = arith.index_cast %parallel_loop3A_179 : i32 to index
      %parallel_loop3A_251 = arith.constant 64 : index
      %parallel_loop3A_252 = tpu.vector_load %arg7[%parallel_loop3A_249, %parallel_loop3A_250, %parallel_loop3A_251] {strides = array<i32>} : memref<2x200x128xf32, #tpu.memory_space<vmem>>, vector<16xf32>,
      %parallel_loop3A_253 = arith.constant 0 : i32
      %parallel_loop3A_254 = arith.index_cast %parallel_loop3A_253 : i32 to index
      %parallel_loop3A_255 = arith.index_cast %parallel_loop3A_179 : i32 to index
      %parallel_loop3A_256 = arith.constant 64 : index
      %parallel_loop3A_257 = tpu.vector_load %arg8[%parallel_loop3A_254, %parallel_loop3A_255, %parallel_loop3A_256] {strides = array<i32>} : memref<2x200x128xi32, #tpu.memory_space<vmem>>, vector<16xi32>,
      %parallel_loop3A_258 = tpu.vector_load_idx %arg6[%parallel_loop3A_257] : memref<32xf32, #tpu.memory_space<vmem>>[vector<16xi32>], vector<16xf32>,
      %parallel_loop3A_259 = arith.sitofp %parallel_loop3A_257 : vector<16xi32> to vector<16xf32>
      %parallel_loop3A_260 = arith.subf %parallel_loop3A_252, %parallel_loop3A_259 : vector<16xf32>
      %parallel_loop3A_261 = math.absf %parallel_loop3A_260 : vector<16xf32>
      %parallel_loop3A_262 = arith.mulf %parallel_loop3A_258, %parallel_loop3A_261 : vector<16xf32>
      %parallel_loop3A_263 = arith.addf %parallel_loop3A_199, %parallel_loop3A_262 : vector<16xf32>
      %parallel_loop3A_264 = arith.constant 0 : i32
      %parallel_loop3A_265 = arith.index_cast %parallel_loop3A_264 : i32 to index
      %parallel_loop3A_266 = arith.index_cast %parallel_loop3A_179 : i32 to index
      %parallel_loop3A_267 = arith.constant 80 : index
      %parallel_loop3A_268 = tpu.vector_load %arg7[%parallel_loop3A_265, %parallel_loop3A_266, %parallel_loop3A_267] {strides = array<i32>} : memref<2x200x128xf32, #tpu.memory_space<vmem>>, vector<16xf32>,
      %parallel_loop3A_269 = arith.constant 0 : i32
      %parallel_loop3A_270 = arith.index_cast %parallel_loop3A_269 : i32 to index
      %parallel_loop3A_271 = arith.index_cast %parallel_loop3A_179 : i32 to index
      %parallel_loop3A_272 = arith.constant 80 : index
      %parallel_loop3A_273 = tpu.vector_load %arg8[%parallel_loop3A_270, %parallel_loop3A_271, %parallel_loop3A_272] {strides = array<i32>} : memref<2x200x128xi32, #tpu.memory_space<vmem>>, vector<16xi32>,
      %parallel_loop3A_274 = tpu.vector_load_idx %arg6[%parallel_loop3A_273] : memref<32xf32, #tpu.memory_space<vmem>>[vector<16xi32>], vector<16xf32>,
      %parallel_loop3A_275 = arith.sitofp %parallel_loop3A_273 : vector<16xi32> to vector<16xf32>
      %parallel_loop3A_276 = arith.subf %parallel_loop3A_268, %parallel_loop3A_275 : vector<16xf32>
      %parallel_loop3A_277 = math.absf %parallel_loop3A_276 : vector<16xf32>
      %parallel_loop3A_278 = arith.mulf %parallel_loop3A_274, %parallel_loop3A_277 : vector<16xf32>
      %parallel_loop3A_279 = arith.addf %parallel_loop3A_215, %parallel_loop3A_278 : vector<16xf32>
      %parallel_loop3A_280 = arith.constant 0 : i32
      %parallel_loop3A_281 = arith.index_cast %parallel_loop3A_280 : i32 to index
      %parallel_loop3A_282 = arith.index_cast %parallel_loop3A_179 : i32 to index
      %parallel_loop3A_283 = arith.constant 96 : index
      %parallel_loop3A_284 = tpu.vector_load %arg7[%parallel_loop3A_281, %parallel_loop3A_282, %parallel_loop3A_283] {strides = array<i32>} : memref<2x200x128xf32, #tpu.memory_space<vmem>>, vector<16xf32>,
      %parallel_loop3A_285 = arith.constant 0 : i32
      %parallel_loop3A_286 = arith.index_cast %parallel_loop3A_285 : i32 to index
      %parallel_loop3A_287 = arith.index_cast %parallel_loop3A_179 : i32 to index
      %parallel_loop3A_288 = arith.constant 96 : index
      %parallel_loop3A_289 = tpu.vector_load %arg8[%parallel_loop3A_286, %parallel_loop3A_287, %parallel_loop3A_288] {strides = array<i32>} : memref<2x200x128xi32, #tpu.memory_space<vmem>>, vector<16xi32>,
      %parallel_loop3A_290 = tpu.vector_load_idx %arg6[%parallel_loop3A_289] : memref<32xf32, #tpu.memory_space<vmem>>[vector<16xi32>], vector<16xf32>,
      %parallel_loop3A_291 = arith.sitofp %parallel_loop3A_289 : vector<16xi32> to vector<16xf32>
      %parallel_loop3A_292 = arith.subf %parallel_loop3A_284, %parallel_loop3A_291 : vector<16xf32>
      %parallel_loop3A_293 = math.absf %parallel_loop3A_292 : vector<16xf32>
      %parallel_loop3A_294 = arith.mulf %parallel_loop3A_290, %parallel_loop3A_293 : vector<16xf32>
      %parallel_loop3A_295 = arith.addf %parallel_loop3A_231, %parallel_loop3A_294 : vector<16xf32>
      %parallel_loop3A_296 = arith.constant 0 : i32
      %parallel_loop3A_297 = arith.index_cast %parallel_loop3A_296 : i32 to index
      %parallel_loop3A_298 = arith.index_cast %parallel_loop3A_179 : i32 to index
      %parallel_loop3A_299 = arith.constant 112 : index
      %parallel_loop3A_300 = tpu.vector_load %arg7[%parallel_loop3A_297, %parallel_loop3A_298, %parallel_loop3A_299] {strides = array<i32>} : memref<2x200x128xf32, #tpu.memory_space<vmem>>, vector<16xf32>,
      %parallel_loop3A_301 = arith.constant 0 : i32
      %parallel_loop3A_302 = arith.index_cast %parallel_loop3A_301 : i32 to index
      %parallel_loop3A_303 = arith.index_cast %parallel_loop3A_179 : i32 to index
      %parallel_loop3A_304 = arith.constant 112 : index
      %parallel_loop3A_305 = tpu.vector_load %arg8[%parallel_loop3A_302, %parallel_loop3A_303, %parallel_loop3A_304] {strides = array<i32>} : memref<2x200x128xi32, #tpu.memory_space<vmem>>, vector<16xi32>,
      %parallel_loop3A_306 = tpu.vector_load_idx %arg6[%parallel_loop3A_305] : memref<32xf32, #tpu.memory_space<vmem>>[vector<16xi32>], vector<16xf32>,
      %parallel_loop3A_307 = arith.sitofp %parallel_loop3A_305 : vector<16xi32> to vector<16xf32>
      %parallel_loop3A_308 = arith.subf %parallel_loop3A_300, %parallel_loop3A_307 : vector<16xf32>
      %parallel_loop3A_309 = math.absf %parallel_loop3A_308 : vector<16xf32>
      %parallel_loop3A_310 = arith.mulf %parallel_loop3A_306, %parallel_loop3A_309 : vector<16xf32>
      %parallel_loop3A_311 = arith.addf %parallel_loop3A_247, %parallel_loop3A_310 : vector<16xf32>
      scf.yield %parallel_loop3A_263, %parallel_loop3A_279, %parallel_loop3A_295, %parallel_loop3A_311 : vector<16xf32>, vector<16xf32>, vector<16xf32>, vector<16xf32>
    } {sc.loop_unroll_factor = 1 : i64, sc.parallel_access}
    %dma_wait3A_87 = arith.constant 1 : i32
    %dma_wait3A_88 = arith.constant 0 : i32
    %dma_wait3A_89 = arith.constant 0 : i32
    %dma_wait3A_90 = tpu.memref_slice %arg7[%dma_wait3A_87, %dma_wait3A_88, %dma_wait3A_89] : memref<2x200x128xf32, #tpu.memory_space<vmem>> -> memref<1x200x128xf32, #tpu.memory_space<vmem>>
    %dma_wait3A_91 = tpu.memref_squeeze %dma_wait3A_90 : memref<1x200x128xf32, #tpu.memory_space<vmem>> -> memref<200x128xf32, #tpu.memory_space<vmem>>
    %dma_wait3A_92 = arith.constant 0 : i32
    %dma_wait3A_93 = tpu.memref_slice %arg2[%dma_wait3A_92, %add3A_57] : memref<200x16384xf32, #tpu.memory_space<hbm>> -> memref<200x128xf32, #tpu.memory_space<hbm>>
    %dma_wait3A_94 = arith.constant 0 : i32
    %dma_wait3A_95 = arith.constant 0 : i32
    %dma_wait3A_96 = tpu.memref_slice %arg7[%dma_wait3A_87, %dma_wait3A_94, %dma_wait3A_95] : memref<2x200x128xf32, #tpu.memory_space<vmem>> -> memref<1x200x128xf32, #tpu.memory_space<vmem>>
    %dma_wait3A_97 = tpu.memref_squeeze %dma_wait3A_96 : memref<1x200x128xf32, #tpu.memory_space<vmem>> -> memref<200x128xf32, #tpu.memory_space<vmem>>
    %dma_wait3A_98 = arith.constant 0 : i32
    %dma_wait3A_99 = tpu.memref_slice %arg2[%dma_wait3A_98, %add3A_57] : memref<200x16384xf32, #tpu.memory_space<hbm>> -> memref<200x128xf32, #tpu.memory_space<hbm>>
    tpu.wait_dma2 semaphore(%arg11 : memref<!tpu.dma_semaphore, #tpu.memory_space<semaphore_mem>>) src(%dma_wait3A_99 : memref<200x128xf32, #tpu.memory_space<hbm>>) dst(%dma_wait3A_97 : memref<200x128xf32, #tpu.memory_space<vmem>>)
    %dma_wait3A_100 = arith.constant 1 : i32
    %dma_wait3A_101 = arith.constant 0 : i32
    %dma_wait3A_102 = arith.constant 0 : i32
    %dma_wait3A_103 = tpu.memref_slice %arg8[%dma_wait3A_100, %dma_wait3A_101, %dma_wait3A_102] : memref<2x200x128xi32, #tpu.memory_space<vmem>> -> memref<1x200x128xi32, #tpu.memory_space<vmem>>
    %dma_wait3A_104 = tpu.memref_squeeze %dma_wait3A_103 : memref<1x200x128xi32, #tpu.memory_space<vmem>> -> memref<200x128xi32, #tpu.memory_space<vmem>>
    %dma_wait3A_105 = arith.constant 0 : i32
    %dma_wait3A_106 = tpu.memref_slice %arg3[%dma_wait3A_105, %add3A_57] : memref<200x16384xi32, #tpu.memory_space<hbm>> -> memref<200x128xi32, #tpu.memory_space<hbm>>
    %dma_wait3A_107 = arith.constant 0 : i32
    %dma_wait3A_108 = arith.constant 0 : i32
    %dma_wait3A_109 = tpu.memref_slice %arg8[%dma_wait3A_100, %dma_wait3A_107, %dma_wait3A_108] : memref<2x200x128xi32, #tpu.memory_space<vmem>> -> memref<1x200x128xi32, #tpu.memory_space<vmem>>
    %dma_wait3A_110 = tpu.memref_squeeze %dma_wait3A_109 : memref<1x200x128xi32, #tpu.memory_space<vmem>> -> memref<200x128xi32, #tpu.memory_space<vmem>>
    %dma_wait3A_111 = arith.constant 0 : i32
    %dma_wait3A_112 = tpu.memref_slice %arg3[%dma_wait3A_111, %add3A_57] : memref<200x16384xi32, #tpu.memory_space<hbm>> -> memref<200x128xi32, #tpu.memory_space<hbm>>
    tpu.wait_dma2 semaphore(%arg11 : memref<!tpu.dma_semaphore, #tpu.memory_space<semaphore_mem>>) src(%dma_wait3A_112 : memref<200x128xi32, #tpu.memory_space<hbm>>) dst(%dma_wait3A_110 : memref<200x128xi32, #tpu.memory_space<vmem>>)
    %add3A_113 = arith.constant 256 : i32
    %add3A_114 = arith.addi %mul3A_2, %add3A_113 : i32
    %dma_start3A_115 = arith.constant 0 : i32
    %dma_start3A_116 = arith.constant 0 : i32
    %dma_start3A_117 = arith.constant 0 : i32
    %dma_start3A_118 = tpu.memref_slice %arg7[%dma_start3A_115, %dma_start3A_116, %dma_start3A_117] : memref<2x200x128xf32, #tpu.memory_space<vmem>> -> memref<1x200x128xf32, #tpu.memory_space<vmem>>
    %dma_start3A_119 = tpu.memref_squeeze %dma_start3A_118 : memref<1x200x128xf32, #tpu.memory_space<vmem>> -> memref<200x128xf32, #tpu.memory_space<vmem>>
    %dma_start3A_120 = arith.constant 0 : i32
    %dma_start3A_121 = tpu.memref_slice %arg2[%dma_start3A_120, %add3A_114] : memref<200x16384xf32, #tpu.memory_space<hbm>> -> memref<200x128xf32, #tpu.memory_space<hbm>>
    %dma_start3A_122 = arith.constant 0 : i32
    %dma_start3A_123 = arith.constant 0 : i32
    %dma_start3A_124 = tpu.memref_slice %arg7[%dma_start3A_115, %dma_start3A_122, %dma_start3A_123] : memref<2x200x128xf32, #tpu.memory_space<vmem>> -> memref<1x200x128xf32, #tpu.memory_space<vmem>>
    %dma_start3A_125 = tpu.memref_squeeze %dma_start3A_124 : memref<1x200x128xf32, #tpu.memory_space<vmem>> -> memref<200x128xf32, #tpu.memory_space<vmem>>
    %dma_start3A_126 = arith.constant 0 : i32
    %dma_start3A_127 = tpu.memref_slice %arg2[%dma_start3A_126, %add3A_114] : memref<200x16384xf32, #tpu.memory_space<hbm>> -> memref<200x128xf32, #tpu.memory_space<hbm>>
    tpu.enqueue_dma source(%dma_start3A_127 : memref<200x128xf32, #tpu.memory_space<hbm>>) target(%dma_start3A_125 : memref<200x128xf32, #tpu.memory_space<vmem>>) target_semaphore(%arg10 : memref<!tpu.dma_semaphore, #tpu.memory_space<semaphore_mem>>)
    %dma_start3A_128 = arith.constant 0 : i32
    %dma_start3A_129 = arith.constant 0 : i32
    %dma_start3A_130 = arith.constant 0 : i32
    %dma_start3A_131 = tpu.memref_slice %arg8[%dma_start3A_128, %dma_start3A_129, %dma_start3A_130] : memref<2x200x128xi32, #tpu.memory_space<vmem>> -> memref<1x200x128xi32, #tpu.memory_space<vmem>>
    %dma_start3A_132 = tpu.memref_squeeze %dma_start3A_131 : memref<1x200x128xi32, #tpu.memory_space<vmem>> -> memref<200x128xi32, #tpu.memory_space<vmem>>
    %dma_start3A_133 = arith.constant 0 : i32
    %dma_start3A_134 = tpu.memref_slice %arg3[%dma_start3A_133, %add3A_114] : memref<200x16384xi32, #tpu.memory_space<hbm>> -> memref<200x128xi32, #tpu.memory_space<hbm>>
    %dma_start3A_135 = arith.constant 0 : i32
    %dma_start3A_136 = arith.constant 0 : i32
    %dma_start3A_137 = tpu.memref_slice %arg8[%dma_start3A_128, %dma_start3A_135, %dma_start3A_136] : memref<2x200x128xi32, #tpu.memory_space<vmem>> -> memref<1x200x128xi32, #tpu.memory_space<vmem>>
    %dma_start3A_138 = tpu.memref_squeeze %dma_start3A_137 : memref<1x200x128xi32, #tpu.memory_space<vmem>> -> memref<200x128xi32, #tpu.memory_space<vmem>>
    %dma_start3A_139 = arith.constant 0 : i32
    %dma_start3A_140 = tpu.memref_slice %arg3[%dma_start3A_139, %add3A_114] : memref<200x16384xi32, #tpu.memory_space<hbm>> -> memref<200x128xi32, #tpu.memory_space<hbm>>
    tpu.enqueue_dma source(%dma_start3A_140 : memref<200x128xi32, #tpu.memory_space<hbm>>) target(%dma_start3A_138 : memref<200x128xi32, #tpu.memory_space<vmem>>) target_semaphore(%arg10 : memref<!tpu.dma_semaphore, #tpu.memory_space<semaphore_mem>>)
    %parallel_loop3A_141 = arith.constant 0 : i32
    %parallel_loop3A_142 = arith.constant 200 : i32
    %parallel_loop3A_143 = arith.constant 1 : i32
    %parallel_loop3A_144:4 = scf.for %parallel_loop3A_179 = %parallel_loop3A_141 to %parallel_loop3A_142 step %parallel_loop3A_143 iter_args(%parallel_loop3A_180 = %parallel_loop3A_86#0, %parallel_loop3A_181 = %parallel_loop3A_86#1, %parallel_loop3A_182 = %parallel_loop3A_86#2, %parallel_loop3A_183 = %parallel_loop3A_86#3) -> (vector<16xf32>, vector<16xf32>, vector<16xf32>, vector<16xf32>)  : i32 {
      %parallel_loop3A_184 = arith.constant 1 : i32
      %parallel_loop3A_185 = arith.index_cast %parallel_loop3A_184 : i32 to index
      %parallel_loop3A_186 = arith.index_cast %parallel_loop3A_179 : i32 to index
      %parallel_loop3A_187 = arith.constant 0 : index
      %parallel_loop3A_188 = tpu.vector_load %arg7[%parallel_loop3A_185, %parallel_loop3A_186, %parallel_loop3A_187] {strides = array<i32>} : memref<2x200x128xf32, #tpu.memory_space<vmem>>, vector<16xf32>,
      %parallel_loop3A_189 = arith.constant 1 : i32
      %parallel_loop3A_190 = arith.index_cast %parallel_loop3A_189 : i32 to index
      %parallel_loop3A_191 = arith.index_cast %parallel_loop3A_179 : i32 to index
      %parallel_loop3A_192 = arith.constant 0 : index
      %parallel_loop3A_193 = tpu.vector_load %arg8[%parallel_loop3A_190, %parallel_loop3A_191, %parallel_loop3A_192] {strides = array<i32>} : memref<2x200x128xi32, #tpu.memory_space<vmem>>, vector<16xi32>,
      %parallel_loop3A_194 = tpu.vector_load_idx %arg6[%parallel_loop3A_193] : memref<32xf32, #tpu.memory_space<vmem>>[vector<16xi32>], vector<16xf32>,
      %parallel_loop3A_195 = arith.sitofp %parallel_loop3A_193 : vector<16xi32> to vector<16xf32>
      %parallel_loop3A_196 = arith.subf %parallel_loop3A_188, %parallel_loop3A_195 : vector<16xf32>
      %parallel_loop3A_197 = math.absf %parallel_loop3A_196 : vector<16xf32>
      %parallel_loop3A_198 = arith.mulf %parallel_loop3A_194, %parallel_loop3A_197 : vector<16xf32>
      %parallel_loop3A_199 = arith.addf %parallel_loop3A_180, %parallel_loop3A_198 : vector<16xf32>
      %parallel_loop3A_200 = arith.constant 1 : i32
      %parallel_loop3A_201 = arith.index_cast %parallel_loop3A_200 : i32 to index
      %parallel_loop3A_202 = arith.index_cast %parallel_loop3A_179 : i32 to index
      %parallel_loop3A_203 = arith.constant 16 : index
      %parallel_loop3A_204 = tpu.vector_load %arg7[%parallel_loop3A_201, %parallel_loop3A_202, %parallel_loop3A_203] {strides = array<i32>} : memref<2x200x128xf32, #tpu.memory_space<vmem>>, vector<16xf32>,
      %parallel_loop3A_205 = arith.constant 1 : i32
      %parallel_loop3A_206 = arith.index_cast %parallel_loop3A_205 : i32 to index
      %parallel_loop3A_207 = arith.index_cast %parallel_loop3A_179 : i32 to index
      %parallel_loop3A_208 = arith.constant 16 : index
      %parallel_loop3A_209 = tpu.vector_load %arg8[%parallel_loop3A_206, %parallel_loop3A_207, %parallel_loop3A_208] {strides = array<i32>} : memref<2x200x128xi32, #tpu.memory_space<vmem>>, vector<16xi32>,
      %parallel_loop3A_210 = tpu.vector_load_idx %arg6[%parallel_loop3A_209] : memref<32xf32, #tpu.memory_space<vmem>>[vector<16xi32>], vector<16xf32>,
      %parallel_loop3A_211 = arith.sitofp %parallel_loop3A_209 : vector<16xi32> to vector<16xf32>
      %parallel_loop3A_212 = arith.subf %parallel_loop3A_204, %parallel_loop3A_211 : vector<16xf32>
      %parallel_loop3A_213 = math.absf %parallel_loop3A_212 : vector<16xf32>
      %parallel_loop3A_214 = arith.mulf %parallel_loop3A_210, %parallel_loop3A_213 : vector<16xf32>
      %parallel_loop3A_215 = arith.addf %parallel_loop3A_181, %parallel_loop3A_214 : vector<16xf32>
      %parallel_loop3A_216 = arith.constant 1 : i32
      %parallel_loop3A_217 = arith.index_cast %parallel_loop3A_216 : i32 to index
      %parallel_loop3A_218 = arith.index_cast %parallel_loop3A_179 : i32 to index
      %parallel_loop3A_219 = arith.constant 32 : index
      %parallel_loop3A_220 = tpu.vector_load %arg7[%parallel_loop3A_217, %parallel_loop3A_218, %parallel_loop3A_219] {strides = array<i32>} : memref<2x200x128xf32, #tpu.memory_space<vmem>>, vector<16xf32>,
      %parallel_loop3A_221 = arith.constant 1 : i32
      %parallel_loop3A_222 = arith.index_cast %parallel_loop3A_221 : i32 to index
      %parallel_loop3A_223 = arith.index_cast %parallel_loop3A_179 : i32 to index
      %parallel_loop3A_224 = arith.constant 32 : index
      %parallel_loop3A_225 = tpu.vector_load %arg8[%parallel_loop3A_222, %parallel_loop3A_223, %parallel_loop3A_224] {strides = array<i32>} : memref<2x200x128xi32, #tpu.memory_space<vmem>>, vector<16xi32>,
      %parallel_loop3A_226 = tpu.vector_load_idx %arg6[%parallel_loop3A_225] : memref<32xf32, #tpu.memory_space<vmem>>[vector<16xi32>], vector<16xf32>,
      %parallel_loop3A_227 = arith.sitofp %parallel_loop3A_225 : vector<16xi32> to vector<16xf32>
      %parallel_loop3A_228 = arith.subf %parallel_loop3A_220, %parallel_loop3A_227 : vector<16xf32>
      %parallel_loop3A_229 = math.absf %parallel_loop3A_228 : vector<16xf32>
      %parallel_loop3A_230 = arith.mulf %parallel_loop3A_226, %parallel_loop3A_229 : vector<16xf32>
      %parallel_loop3A_231 = arith.addf %parallel_loop3A_182, %parallel_loop3A_230 : vector<16xf32>
      %parallel_loop3A_232 = arith.constant 1 : i32
      %parallel_loop3A_233 = arith.index_cast %parallel_loop3A_232 : i32 to index
      %parallel_loop3A_234 = arith.index_cast %parallel_loop3A_179 : i32 to index
      %parallel_loop3A_235 = arith.constant 48 : index
      %parallel_loop3A_236 = tpu.vector_load %arg7[%parallel_loop3A_233, %parallel_loop3A_234, %parallel_loop3A_235] {strides = array<i32>} : memref<2x200x128xf32, #tpu.memory_space<vmem>>, vector<16xf32>,
      %parallel_loop3A_237 = arith.constant 1 : i32
      %parallel_loop3A_238 = arith.index_cast %parallel_loop3A_237 : i32 to index
      %parallel_loop3A_239 = arith.index_cast %parallel_loop3A_179 : i32 to index
      %parallel_loop3A_240 = arith.constant 48 : index
      %parallel_loop3A_241 = tpu.vector_load %arg8[%parallel_loop3A_238, %parallel_loop3A_239, %parallel_loop3A_240] {strides = array<i32>} : memref<2x200x128xi32, #tpu.memory_space<vmem>>, vector<16xi32>,
      %parallel_loop3A_242 = tpu.vector_load_idx %arg6[%parallel_loop3A_241] : memref<32xf32, #tpu.memory_space<vmem>>[vector<16xi32>], vector<16xf32>,
      %parallel_loop3A_243 = arith.sitofp %parallel_loop3A_241 : vector<16xi32> to vector<16xf32>
      %parallel_loop3A_244 = arith.subf %parallel_loop3A_236, %parallel_loop3A_243 : vector<16xf32>
      %parallel_loop3A_245 = math.absf %parallel_loop3A_244 : vector<16xf32>
      %parallel_loop3A_246 = arith.mulf %parallel_loop3A_242, %parallel_loop3A_245 : vector<16xf32>
      %parallel_loop3A_247 = arith.addf %parallel_loop3A_183, %parallel_loop3A_246 : vector<16xf32>
      %parallel_loop3A_248 = arith.constant 1 : i32
      %parallel_loop3A_249 = arith.index_cast %parallel_loop3A_248 : i32 to index
      %parallel_loop3A_250 = arith.index_cast %parallel_loop3A_179 : i32 to index
      %parallel_loop3A_251 = arith.constant 64 : index
      %parallel_loop3A_252 = tpu.vector_load %arg7[%parallel_loop3A_249, %parallel_loop3A_250, %parallel_loop3A_251] {strides = array<i32>} : memref<2x200x128xf32, #tpu.memory_space<vmem>>, vector<16xf32>,
      %parallel_loop3A_253 = arith.constant 1 : i32
      %parallel_loop3A_254 = arith.index_cast %parallel_loop3A_253 : i32 to index
      %parallel_loop3A_255 = arith.index_cast %parallel_loop3A_179 : i32 to index
      %parallel_loop3A_256 = arith.constant 64 : index
      %parallel_loop3A_257 = tpu.vector_load %arg8[%parallel_loop3A_254, %parallel_loop3A_255, %parallel_loop3A_256] {strides = array<i32>} : memref<2x200x128xi32, #tpu.memory_space<vmem>>, vector<16xi32>,
      %parallel_loop3A_258 = tpu.vector_load_idx %arg6[%parallel_loop3A_257] : memref<32xf32, #tpu.memory_space<vmem>>[vector<16xi32>], vector<16xf32>,
      %parallel_loop3A_259 = arith.sitofp %parallel_loop3A_257 : vector<16xi32> to vector<16xf32>
      %parallel_loop3A_260 = arith.subf %parallel_loop3A_252, %parallel_loop3A_259 : vector<16xf32>
      %parallel_loop3A_261 = math.absf %parallel_loop3A_260 : vector<16xf32>
      %parallel_loop3A_262 = arith.mulf %parallel_loop3A_258, %parallel_loop3A_261 : vector<16xf32>
      %parallel_loop3A_263 = arith.addf %parallel_loop3A_199, %parallel_loop3A_262 : vector<16xf32>
      %parallel_loop3A_264 = arith.constant 1 : i32
      %parallel_loop3A_265 = arith.index_cast %parallel_loop3A_264 : i32 to index
      %parallel_loop3A_266 = arith.index_cast %parallel_loop3A_179 : i32 to index
      %parallel_loop3A_267 = arith.constant 80 : index
      %parallel_loop3A_268 = tpu.vector_load %arg7[%parallel_loop3A_265, %parallel_loop3A_266, %parallel_loop3A_267] {strides = array<i32>} : memref<2x200x128xf32, #tpu.memory_space<vmem>>, vector<16xf32>,
      %parallel_loop3A_269 = arith.constant 1 : i32
      %parallel_loop3A_270 = arith.index_cast %parallel_loop3A_269 : i32 to index
      %parallel_loop3A_271 = arith.index_cast %parallel_loop3A_179 : i32 to index
      %parallel_loop3A_272 = arith.constant 80 : index
      %parallel_loop3A_273 = tpu.vector_load %arg8[%parallel_loop3A_270, %parallel_loop3A_271, %parallel_loop3A_272] {strides = array<i32>} : memref<2x200x128xi32, #tpu.memory_space<vmem>>, vector<16xi32>,
      %parallel_loop3A_274 = tpu.vector_load_idx %arg6[%parallel_loop3A_273] : memref<32xf32, #tpu.memory_space<vmem>>[vector<16xi32>], vector<16xf32>,
      %parallel_loop3A_275 = arith.sitofp %parallel_loop3A_273 : vector<16xi32> to vector<16xf32>
      %parallel_loop3A_276 = arith.subf %parallel_loop3A_268, %parallel_loop3A_275 : vector<16xf32>
      %parallel_loop3A_277 = math.absf %parallel_loop3A_276 : vector<16xf32>
      %parallel_loop3A_278 = arith.mulf %parallel_loop3A_274, %parallel_loop3A_277 : vector<16xf32>
      %parallel_loop3A_279 = arith.addf %parallel_loop3A_215, %parallel_loop3A_278 : vector<16xf32>
      %parallel_loop3A_280 = arith.constant 1 : i32
      %parallel_loop3A_281 = arith.index_cast %parallel_loop3A_280 : i32 to index
      %parallel_loop3A_282 = arith.index_cast %parallel_loop3A_179 : i32 to index
      %parallel_loop3A_283 = arith.constant 96 : index
      %parallel_loop3A_284 = tpu.vector_load %arg7[%parallel_loop3A_281, %parallel_loop3A_282, %parallel_loop3A_283] {strides = array<i32>} : memref<2x200x128xf32, #tpu.memory_space<vmem>>, vector<16xf32>,
      %parallel_loop3A_285 = arith.constant 1 : i32
      %parallel_loop3A_286 = arith.index_cast %parallel_loop3A_285 : i32 to index
      %parallel_loop3A_287 = arith.index_cast %parallel_loop3A_179 : i32 to index
      %parallel_loop3A_288 = arith.constant 96 : index
      %parallel_loop3A_289 = tpu.vector_load %arg8[%parallel_loop3A_286, %parallel_loop3A_287, %parallel_loop3A_288] {strides = array<i32>} : memref<2x200x128xi32, #tpu.memory_space<vmem>>, vector<16xi32>,
      %parallel_loop3A_290 = tpu.vector_load_idx %arg6[%parallel_loop3A_289] : memref<32xf32, #tpu.memory_space<vmem>>[vector<16xi32>], vector<16xf32>,
      %parallel_loop3A_291 = arith.sitofp %parallel_loop3A_289 : vector<16xi32> to vector<16xf32>
      %parallel_loop3A_292 = arith.subf %parallel_loop3A_284, %parallel_loop3A_291 : vector<16xf32>
      %parallel_loop3A_293 = math.absf %parallel_loop3A_292 : vector<16xf32>
      %parallel_loop3A_294 = arith.mulf %parallel_loop3A_290, %parallel_loop3A_293 : vector<16xf32>
      %parallel_loop3A_295 = arith.addf %parallel_loop3A_231, %parallel_loop3A_294 : vector<16xf32>
      %parallel_loop3A_296 = arith.constant 1 : i32
      %parallel_loop3A_297 = arith.index_cast %parallel_loop3A_296 : i32 to index
      %parallel_loop3A_298 = arith.index_cast %parallel_loop3A_179 : i32 to index
      %parallel_loop3A_299 = arith.constant 112 : index
      %parallel_loop3A_300 = tpu.vector_load %arg7[%parallel_loop3A_297, %parallel_loop3A_298, %parallel_loop3A_299] {strides = array<i32>} : memref<2x200x128xf32, #tpu.memory_space<vmem>>, vector<16xf32>,
      %parallel_loop3A_301 = arith.constant 1 : i32
      %parallel_loop3A_302 = arith.index_cast %parallel_loop3A_301 : i32 to index
      %parallel_loop3A_303 = arith.index_cast %parallel_loop3A_179 : i32 to index
      %parallel_loop3A_304 = arith.constant 112 : index
      %parallel_loop3A_305 = tpu.vector_load %arg8[%parallel_loop3A_302, %parallel_loop3A_303, %parallel_loop3A_304] {strides = array<i32>} : memref<2x200x128xi32, #tpu.memory_space<vmem>>, vector<16xi32>,
      %parallel_loop3A_306 = tpu.vector_load_idx %arg6[%parallel_loop3A_305] : memref<32xf32, #tpu.memory_space<vmem>>[vector<16xi32>], vector<16xf32>,
      %parallel_loop3A_307 = arith.sitofp %parallel_loop3A_305 : vector<16xi32> to vector<16xf32>
      %parallel_loop3A_308 = arith.subf %parallel_loop3A_300, %parallel_loop3A_307 : vector<16xf32>
      %parallel_loop3A_309 = math.absf %parallel_loop3A_308 : vector<16xf32>
      %parallel_loop3A_310 = arith.mulf %parallel_loop3A_306, %parallel_loop3A_309 : vector<16xf32>
      %parallel_loop3A_311 = arith.addf %parallel_loop3A_247, %parallel_loop3A_310 : vector<16xf32>
      scf.yield %parallel_loop3A_263, %parallel_loop3A_279, %parallel_loop3A_295, %parallel_loop3A_311 : vector<16xf32>, vector<16xf32>, vector<16xf32>, vector<16xf32>
    } {sc.loop_unroll_factor = 1 : i64, sc.parallel_access}
    %dma_wait3A_145 = arith.constant 0 : i32
    %dma_wait3A_146 = arith.constant 0 : i32
    %dma_wait3A_147 = arith.constant 0 : i32
    %dma_wait3A_148 = tpu.memref_slice %arg7[%dma_wait3A_145, %dma_wait3A_146, %dma_wait3A_147] : memref<2x200x128xf32, #tpu.memory_space<vmem>> -> memref<1x200x128xf32, #tpu.memory_space<vmem>>
    %dma_wait3A_149 = tpu.memref_squeeze %dma_wait3A_148 : memref<1x200x128xf32, #tpu.memory_space<vmem>> -> memref<200x128xf32, #tpu.memory_space<vmem>>
    %dma_wait3A_150 = arith.constant 0 : i32
    %dma_wait3A_151 = tpu.memref_slice %arg2[%dma_wait3A_150, %add3A_114] : memref<200x16384xf32, #tpu.memory_space<hbm>> -> memref<200x128xf32, #tpu.memory_space<hbm>>
    %dma_wait3A_152 = arith.constant 0 : i32
    %dma_wait3A_153 = arith.constant 0 : i32
    %dma_wait3A_154 = tpu.memref_slice %arg7[%dma_wait3A_145, %dma_wait3A_152, %dma_wait3A_153] : memref<2x200x128xf32, #tpu.memory_space<vmem>> -> memref<1x200x128xf32, #tpu.memory_space<vmem>>
    %dma_wait3A_155 = tpu.memref_squeeze %dma_wait3A_154 : memref<1x200x128xf32, #tpu.memory_space<vmem>> -> memref<200x128xf32, #tpu.memory_space<vmem>>
    %dma_wait3A_156 = arith.constant 0 : i32
    %dma_wait3A_157 = tpu.memref_slice %arg2[%dma_wait3A_156, %add3A_114] : memref<200x16384xf32, #tpu.memory_space<hbm>> -> memref<200x128xf32, #tpu.memory_space<hbm>>
    tpu.wait_dma2 semaphore(%arg10 : memref<!tpu.dma_semaphore, #tpu.memory_space<semaphore_mem>>) src(%dma_wait3A_157 : memref<200x128xf32, #tpu.memory_space<hbm>>) dst(%dma_wait3A_155 : memref<200x128xf32, #tpu.memory_space<vmem>>)
    %dma_wait3A_158 = arith.constant 0 : i32
    %dma_wait3A_159 = arith.constant 0 : i32
    %dma_wait3A_160 = arith.constant 0 : i32
    %dma_wait3A_161 = tpu.memref_slice %arg8[%dma_wait3A_158, %dma_wait3A_159, %dma_wait3A_160] : memref<2x200x128xi32, #tpu.memory_space<vmem>> -> memref<1x200x128xi32, #tpu.memory_space<vmem>>
    %dma_wait3A_162 = tpu.memref_squeeze %dma_wait3A_161 : memref<1x200x128xi32, #tpu.memory_space<vmem>> -> memref<200x128xi32, #tpu.memory_space<vmem>>
    %dma_wait3A_163 = arith.constant 0 : i32
    %dma_wait3A_164 = tpu.memref_slice %arg3[%dma_wait3A_163, %add3A_114] : memref<200x16384xi32, #tpu.memory_space<hbm>> -> memref<200x128xi32, #tpu.memory_space<hbm>>
    %dma_wait3A_165 = arith.constant 0 : i32
    %dma_wait3A_166 = arith.constant 0 : i32
    %dma_wait3A_167 = tpu.memref_slice %arg8[%dma_wait3A_158, %dma_wait3A_165, %dma_wait3A_166] : memref<2x200x128xi32, #tpu.memory_space<vmem>> -> memref<1x200x128xi32, #tpu.memory_space<vmem>>
    %dma_wait3A_168 = tpu.memref_squeeze %dma_wait3A_167 : memref<1x200x128xi32, #tpu.memory_space<vmem>> -> memref<200x128xi32, #tpu.memory_space<vmem>>
    %dma_wait3A_169 = arith.constant 0 : i32
    %dma_wait3A_170 = tpu.memref_slice %arg3[%dma_wait3A_169, %add3A_114] : memref<200x16384xi32, #tpu.memory_space<hbm>> -> memref<200x128xi32, #tpu.memory_space<hbm>>
    tpu.wait_dma2 semaphore(%arg10 : memref<!tpu.dma_semaphore, #tpu.memory_space<semaphore_mem>>) src(%dma_wait3A_170 : memref<200x128xi32, #tpu.memory_space<hbm>>) dst(%dma_wait3A_168 : memref<200x128xi32, #tpu.memory_space<vmem>>)
    %parallel_loop3A_171 = arith.constant 0 : i32
    %parallel_loop3A_172 = arith.constant 200 : i32
    %parallel_loop3A_173 = arith.constant 1 : i32
    %parallel_loop3A_174:4 = scf.for %parallel_loop3A_179 = %parallel_loop3A_171 to %parallel_loop3A_172 step %parallel_loop3A_173 iter_args(%parallel_loop3A_180 = %parallel_loop3A_144#0, %parallel_loop3A_181 = %parallel_loop3A_144#1, %parallel_loop3A_182 = %parallel_loop3A_144#2, %parallel_loop3A_183 = %parallel_loop3A_144#3) -> (vector<16xf32>, vector<16xf32>, vector<16xf32>, vector<16xf32>)  : i32 {
      %parallel_loop3A_184 = arith.constant 0 : i32
      %parallel_loop3A_185 = arith.index_cast %parallel_loop3A_184 : i32 to index
      %parallel_loop3A_186 = arith.index_cast %parallel_loop3A_179 : i32 to index
      %parallel_loop3A_187 = arith.constant 0 : index
      %parallel_loop3A_188 = tpu.vector_load %arg7[%parallel_loop3A_185, %parallel_loop3A_186, %parallel_loop3A_187] {strides = array<i32>} : memref<2x200x128xf32, #tpu.memory_space<vmem>>, vector<16xf32>,
      %parallel_loop3A_189 = arith.constant 0 : i32
      %parallel_loop3A_190 = arith.index_cast %parallel_loop3A_189 : i32 to index
      %parallel_loop3A_191 = arith.index_cast %parallel_loop3A_179 : i32 to index
      %parallel_loop3A_192 = arith.constant 0 : index
      %parallel_loop3A_193 = tpu.vector_load %arg8[%parallel_loop3A_190, %parallel_loop3A_191, %parallel_loop3A_192] {strides = array<i32>} : memref<2x200x128xi32, #tpu.memory_space<vmem>>, vector<16xi32>,
      %parallel_loop3A_194 = tpu.vector_load_idx %arg6[%parallel_loop3A_193] : memref<32xf32, #tpu.memory_space<vmem>>[vector<16xi32>], vector<16xf32>,
      %parallel_loop3A_195 = arith.sitofp %parallel_loop3A_193 : vector<16xi32> to vector<16xf32>
      %parallel_loop3A_196 = arith.subf %parallel_loop3A_188, %parallel_loop3A_195 : vector<16xf32>
      %parallel_loop3A_197 = math.absf %parallel_loop3A_196 : vector<16xf32>
      %parallel_loop3A_198 = arith.mulf %parallel_loop3A_194, %parallel_loop3A_197 : vector<16xf32>
      %parallel_loop3A_199 = arith.addf %parallel_loop3A_180, %parallel_loop3A_198 : vector<16xf32>
      %parallel_loop3A_200 = arith.constant 0 : i32
      %parallel_loop3A_201 = arith.index_cast %parallel_loop3A_200 : i32 to index
      %parallel_loop3A_202 = arith.index_cast %parallel_loop3A_179 : i32 to index
      %parallel_loop3A_203 = arith.constant 16 : index
      %parallel_loop3A_204 = tpu.vector_load %arg7[%parallel_loop3A_201, %parallel_loop3A_202, %parallel_loop3A_203] {strides = array<i32>} : memref<2x200x128xf32, #tpu.memory_space<vmem>>, vector<16xf32>,
      %parallel_loop3A_205 = arith.constant 0 : i32
      %parallel_loop3A_206 = arith.index_cast %parallel_loop3A_205 : i32 to index
      %parallel_loop3A_207 = arith.index_cast %parallel_loop3A_179 : i32 to index
      %parallel_loop3A_208 = arith.constant 16 : index
      %parallel_loop3A_209 = tpu.vector_load %arg8[%parallel_loop3A_206, %parallel_loop3A_207, %parallel_loop3A_208] {strides = array<i32>} : memref<2x200x128xi32, #tpu.memory_space<vmem>>, vector<16xi32>,
      %parallel_loop3A_210 = tpu.vector_load_idx %arg6[%parallel_loop3A_209] : memref<32xf32, #tpu.memory_space<vmem>>[vector<16xi32>], vector<16xf32>,
      %parallel_loop3A_211 = arith.sitofp %parallel_loop3A_209 : vector<16xi32> to vector<16xf32>
      %parallel_loop3A_212 = arith.subf %parallel_loop3A_204, %parallel_loop3A_211 : vector<16xf32>
      %parallel_loop3A_213 = math.absf %parallel_loop3A_212 : vector<16xf32>
      %parallel_loop3A_214 = arith.mulf %parallel_loop3A_210, %parallel_loop3A_213 : vector<16xf32>
      %parallel_loop3A_215 = arith.addf %parallel_loop3A_181, %parallel_loop3A_214 : vector<16xf32>
      %parallel_loop3A_216 = arith.constant 0 : i32
      %parallel_loop3A_217 = arith.index_cast %parallel_loop3A_216 : i32 to index
      %parallel_loop3A_218 = arith.index_cast %parallel_loop3A_179 : i32 to index
      %parallel_loop3A_219 = arith.constant 32 : index
      %parallel_loop3A_220 = tpu.vector_load %arg7[%parallel_loop3A_217, %parallel_loop3A_218, %parallel_loop3A_219] {strides = array<i32>} : memref<2x200x128xf32, #tpu.memory_space<vmem>>, vector<16xf32>,
      %parallel_loop3A_221 = arith.constant 0 : i32
      %parallel_loop3A_222 = arith.index_cast %parallel_loop3A_221 : i32 to index
      %parallel_loop3A_223 = arith.index_cast %parallel_loop3A_179 : i32 to index
      %parallel_loop3A_224 = arith.constant 32 : index
      %parallel_loop3A_225 = tpu.vector_load %arg8[%parallel_loop3A_222, %parallel_loop3A_223, %parallel_loop3A_224] {strides = array<i32>} : memref<2x200x128xi32, #tpu.memory_space<vmem>>, vector<16xi32>,
      %parallel_loop3A_226 = tpu.vector_load_idx %arg6[%parallel_loop3A_225] : memref<32xf32, #tpu.memory_space<vmem>>[vector<16xi32>], vector<16xf32>,
      %parallel_loop3A_227 = arith.sitofp %parallel_loop3A_225 : vector<16xi32> to vector<16xf32>
      %parallel_loop3A_228 = arith.subf %parallel_loop3A_220, %parallel_loop3A_227 : vector<16xf32>
      %parallel_loop3A_229 = math.absf %parallel_loop3A_228 : vector<16xf32>
      %parallel_loop3A_230 = arith.mulf %parallel_loop3A_226, %parallel_loop3A_229 : vector<16xf32>
      %parallel_loop3A_231 = arith.addf %parallel_loop3A_182, %parallel_loop3A_230 : vector<16xf32>
      %parallel_loop3A_232 = arith.constant 0 : i32
      %parallel_loop3A_233 = arith.index_cast %parallel_loop3A_232 : i32 to index
      %parallel_loop3A_234 = arith.index_cast %parallel_loop3A_179 : i32 to index
      %parallel_loop3A_235 = arith.constant 48 : index
      %parallel_loop3A_236 = tpu.vector_load %arg7[%parallel_loop3A_233, %parallel_loop3A_234, %parallel_loop3A_235] {strides = array<i32>} : memref<2x200x128xf32, #tpu.memory_space<vmem>>, vector<16xf32>,
      %parallel_loop3A_237 = arith.constant 0 : i32
      %parallel_loop3A_238 = arith.index_cast %parallel_loop3A_237 : i32 to index
      %parallel_loop3A_239 = arith.index_cast %parallel_loop3A_179 : i32 to index
      %parallel_loop3A_240 = arith.constant 48 : index
      %parallel_loop3A_241 = tpu.vector_load %arg8[%parallel_loop3A_238, %parallel_loop3A_239, %parallel_loop3A_240] {strides = array<i32>} : memref<2x200x128xi32, #tpu.memory_space<vmem>>, vector<16xi32>,
      %parallel_loop3A_242 = tpu.vector_load_idx %arg6[%parallel_loop3A_241] : memref<32xf32, #tpu.memory_space<vmem>>[vector<16xi32>], vector<16xf32>,
      %parallel_loop3A_243 = arith.sitofp %parallel_loop3A_241 : vector<16xi32> to vector<16xf32>
      %parallel_loop3A_244 = arith.subf %parallel_loop3A_236, %parallel_loop3A_243 : vector<16xf32>
      %parallel_loop3A_245 = math.absf %parallel_loop3A_244 : vector<16xf32>
      %parallel_loop3A_246 = arith.mulf %parallel_loop3A_242, %parallel_loop3A_245 : vector<16xf32>
      %parallel_loop3A_247 = arith.addf %parallel_loop3A_183, %parallel_loop3A_246 : vector<16xf32>
      %parallel_loop3A_248 = arith.constant 0 : i32
      %parallel_loop3A_249 = arith.index_cast %parallel_loop3A_248 : i32 to index
      %parallel_loop3A_250 = arith.index_cast %parallel_loop3A_179 : i32 to index
      %parallel_loop3A_251 = arith.constant 64 : index
      %parallel_loop3A_252 = tpu.vector_load %arg7[%parallel_loop3A_249, %parallel_loop3A_250, %parallel_loop3A_251] {strides = array<i32>} : memref<2x200x128xf32, #tpu.memory_space<vmem>>, vector<16xf32>,
      %parallel_loop3A_253 = arith.constant 0 : i32
      %parallel_loop3A_254 = arith.index_cast %parallel_loop3A_253 : i32 to index
      %parallel_loop3A_255 = arith.index_cast %parallel_loop3A_179 : i32 to index
      %parallel_loop3A_256 = arith.constant 64 : index
      %parallel_loop3A_257 = tpu.vector_load %arg8[%parallel_loop3A_254, %parallel_loop3A_255, %parallel_loop3A_256] {strides = array<i32>} : memref<2x200x128xi32, #tpu.memory_space<vmem>>, vector<16xi32>,
      %parallel_loop3A_258 = tpu.vector_load_idx %arg6[%parallel_loop3A_257] : memref<32xf32, #tpu.memory_space<vmem>>[vector<16xi32>], vector<16xf32>,
      %parallel_loop3A_259 = arith.sitofp %parallel_loop3A_257 : vector<16xi32> to vector<16xf32>
      %parallel_loop3A_260 = arith.subf %parallel_loop3A_252, %parallel_loop3A_259 : vector<16xf32>
      %parallel_loop3A_261 = math.absf %parallel_loop3A_260 : vector<16xf32>
      %parallel_loop3A_262 = arith.mulf %parallel_loop3A_258, %parallel_loop3A_261 : vector<16xf32>
      %parallel_loop3A_263 = arith.addf %parallel_loop3A_199, %parallel_loop3A_262 : vector<16xf32>
      %parallel_loop3A_264 = arith.constant 0 : i32
      %parallel_loop3A_265 = arith.index_cast %parallel_loop3A_264 : i32 to index
      %parallel_loop3A_266 = arith.index_cast %parallel_loop3A_179 : i32 to index
      %parallel_loop3A_267 = arith.constant 80 : index
      %parallel_loop3A_268 = tpu.vector_load %arg7[%parallel_loop3A_265, %parallel_loop3A_266, %parallel_loop3A_267] {strides = array<i32>} : memref<2x200x128xf32, #tpu.memory_space<vmem>>, vector<16xf32>,
      %parallel_loop3A_269 = arith.constant 0 : i32
      %parallel_loop3A_270 = arith.index_cast %parallel_loop3A_269 : i32 to index
      %parallel_loop3A_271 = arith.index_cast %parallel_loop3A_179 : i32 to index
      %parallel_loop3A_272 = arith.constant 80 : index
      %parallel_loop3A_273 = tpu.vector_load %arg8[%parallel_loop3A_270, %parallel_loop3A_271, %parallel_loop3A_272] {strides = array<i32>} : memref<2x200x128xi32, #tpu.memory_space<vmem>>, vector<16xi32>,
      %parallel_loop3A_274 = tpu.vector_load_idx %arg6[%parallel_loop3A_273] : memref<32xf32, #tpu.memory_space<vmem>>[vector<16xi32>], vector<16xf32>,
      %parallel_loop3A_275 = arith.sitofp %parallel_loop3A_273 : vector<16xi32> to vector<16xf32>
      %parallel_loop3A_276 = arith.subf %parallel_loop3A_268, %parallel_loop3A_275 : vector<16xf32>
      %parallel_loop3A_277 = math.absf %parallel_loop3A_276 : vector<16xf32>
      %parallel_loop3A_278 = arith.mulf %parallel_loop3A_274, %parallel_loop3A_277 : vector<16xf32>
      %parallel_loop3A_279 = arith.addf %parallel_loop3A_215, %parallel_loop3A_278 : vector<16xf32>
      %parallel_loop3A_280 = arith.constant 0 : i32
      %parallel_loop3A_281 = arith.index_cast %parallel_loop3A_280 : i32 to index
      %parallel_loop3A_282 = arith.index_cast %parallel_loop3A_179 : i32 to index
      %parallel_loop3A_283 = arith.constant 96 : index
      %parallel_loop3A_284 = tpu.vector_load %arg7[%parallel_loop3A_281, %parallel_loop3A_282, %parallel_loop3A_283] {strides = array<i32>} : memref<2x200x128xf32, #tpu.memory_space<vmem>>, vector<16xf32>,
      %parallel_loop3A_285 = arith.constant 0 : i32
      %parallel_loop3A_286 = arith.index_cast %parallel_loop3A_285 : i32 to index
      %parallel_loop3A_287 = arith.index_cast %parallel_loop3A_179 : i32 to index
      %parallel_loop3A_288 = arith.constant 96 : index
      %parallel_loop3A_289 = tpu.vector_load %arg8[%parallel_loop3A_286, %parallel_loop3A_287, %parallel_loop3A_288] {strides = array<i32>} : memref<2x200x128xi32, #tpu.memory_space<vmem>>, vector<16xi32>,
      %parallel_loop3A_290 = tpu.vector_load_idx %arg6[%parallel_loop3A_289] : memref<32xf32, #tpu.memory_space<vmem>>[vector<16xi32>], vector<16xf32>,
      %parallel_loop3A_291 = arith.sitofp %parallel_loop3A_289 : vector<16xi32> to vector<16xf32>
      %parallel_loop3A_292 = arith.subf %parallel_loop3A_284, %parallel_loop3A_291 : vector<16xf32>
      %parallel_loop3A_293 = math.absf %parallel_loop3A_292 : vector<16xf32>
      %parallel_loop3A_294 = arith.mulf %parallel_loop3A_290, %parallel_loop3A_293 : vector<16xf32>
      %parallel_loop3A_295 = arith.addf %parallel_loop3A_231, %parallel_loop3A_294 : vector<16xf32>
      %parallel_loop3A_296 = arith.constant 0 : i32
      %parallel_loop3A_297 = arith.index_cast %parallel_loop3A_296 : i32 to index
      %parallel_loop3A_298 = arith.index_cast %parallel_loop3A_179 : i32 to index
      %parallel_loop3A_299 = arith.constant 112 : index
      %parallel_loop3A_300 = tpu.vector_load %arg7[%parallel_loop3A_297, %parallel_loop3A_298, %parallel_loop3A_299] {strides = array<i32>} : memref<2x200x128xf32, #tpu.memory_space<vmem>>, vector<16xf32>,
      %parallel_loop3A_301 = arith.constant 0 : i32
      %parallel_loop3A_302 = arith.index_cast %parallel_loop3A_301 : i32 to index
      %parallel_loop3A_303 = arith.index_cast %parallel_loop3A_179 : i32 to index
      %parallel_loop3A_304 = arith.constant 112 : index
      %parallel_loop3A_305 = tpu.vector_load %arg8[%parallel_loop3A_302, %parallel_loop3A_303, %parallel_loop3A_304] {strides = array<i32>} : memref<2x200x128xi32, #tpu.memory_space<vmem>>, vector<16xi32>,
      %parallel_loop3A_306 = tpu.vector_load_idx %arg6[%parallel_loop3A_305] : memref<32xf32, #tpu.memory_space<vmem>>[vector<16xi32>], vector<16xf32>,
      %parallel_loop3A_307 = arith.sitofp %parallel_loop3A_305 : vector<16xi32> to vector<16xf32>
      %parallel_loop3A_308 = arith.subf %parallel_loop3A_300, %parallel_loop3A_307 : vector<16xf32>
      %parallel_loop3A_309 = math.absf %parallel_loop3A_308 : vector<16xf32>
      %parallel_loop3A_310 = arith.mulf %parallel_loop3A_306, %parallel_loop3A_309 : vector<16xf32>
      %parallel_loop3A_311 = arith.addf %parallel_loop3A_247, %parallel_loop3A_310 : vector<16xf32>
      scf.yield %parallel_loop3A_263, %parallel_loop3A_279, %parallel_loop3A_295, %parallel_loop3A_311 : vector<16xf32>, vector<16xf32>, vector<16xf32>, vector<16xf32>
    } {sc.loop_unroll_factor = 1 : i64, sc.parallel_access}
    %add3A_175 = arith.addf %parallel_loop3A_174#0, %parallel_loop3A_174#1 : vector<16xf32>
    %add3A_176 = arith.addf %add3A_175, %parallel_loop3A_174#2 : vector<16xf32>
    %add3A_177 = arith.addf %add3A_176, %parallel_loop3A_174#3 : vector<16xf32>
    %swap3A = arith.constant 0 : index
    %swap3A_178 = tpu.vector_load %arg9[%swap3A] {strides = array<i32>} : memref<16xf32, #tpu.memory_space<vmem>>, vector<16xf32>,
    tpu.vector_store %arg9[%swap3A], %add3A_177 {strides = array<i32>} : memref<16xf32, #tpu.memory_space<vmem>>, vector<16xf32>,
    "tpu.region"() ({
      %run_scoped3A = tpu.sem_alloc : memref<!tpu.dma_semaphore, #tpu.memory_space<semaphore_mem>>
      %dma_start3A_179 = arith.constant 0 : i32
      %dma_start3A_180 = tpu.memref_slice %arg5[%add3A, %dma_start3A_179] : memref<32x16xf32, #tpu.memory_space<hbm>> -> memref<1x16xf32, #tpu.memory_space<hbm>>
      %dma_start3A_181 = tpu.memref_squeeze %dma_start3A_180 : memref<1x16xf32, #tpu.memory_space<hbm>> -> memref<16xf32, #tpu.memory_space<hbm>>
      %dma_start3A_182 = arith.constant 0 : i32
      %dma_start3A_183 = tpu.memref_slice %arg5[%add3A, %dma_start3A_182] : memref<32x16xf32, #tpu.memory_space<hbm>> -> memref<1x16xf32, #tpu.memory_space<hbm>>
      %dma_start3A_184 = tpu.memref_squeeze %dma_start3A_183 : memref<1x16xf32, #tpu.memory_space<hbm>> -> memref<16xf32, #tpu.memory_space<hbm>>
      tpu.enqueue_dma source(%arg9 : memref<16xf32, #tpu.memory_space<vmem>>) target(%dma_start3A_184 : memref<16xf32, #tpu.memory_space<hbm>>) target_semaphore(%run_scoped3A : memref<!tpu.dma_semaphore, #tpu.memory_space<semaphore_mem>>)
      %dma_wait3A_185 = arith.constant 0 : i32
      %dma_wait3A_186 = tpu.memref_slice %arg5[%add3A, %dma_wait3A_185] : memref<32x16xf32, #tpu.memory_space<hbm>> -> memref<1x16xf32, #tpu.memory_space<hbm>>
      %dma_wait3A_187 = tpu.memref_squeeze %dma_wait3A_186 : memref<1x16xf32, #tpu.memory_space<hbm>> -> memref<16xf32, #tpu.memory_space<hbm>>
      %dma_wait3A_188 = arith.constant 0 : i32
      %dma_wait3A_189 = tpu.memref_slice %arg5[%add3A, %dma_wait3A_188] : memref<32x16xf32, #tpu.memory_space<hbm>> -> memref<1x16xf32, #tpu.memory_space<hbm>>
      %dma_wait3A_190 = tpu.memref_squeeze %dma_wait3A_189 : memref<1x16xf32, #tpu.memory_space<hbm>> -> memref<16xf32, #tpu.memory_space<hbm>>
      tpu.wait_dma2 semaphore(%run_scoped3A : memref<!tpu.dma_semaphore, #tpu.memory_space<semaphore_mem>>) src(%arg9 : memref<16xf32, #tpu.memory_space<vmem>>) dst(%dma_wait3A_190 : memref<16xf32, #tpu.memory_space<hbm>>)
      tpu.yield
    }) : () -> ()
    return
  }
}

module attributes {stable_mosaic.version = 14 : i64} {
  func.func @_wae_tc_body(%arg0: i32, %arg1: memref<200x512xf32, #tpu.memory_space<vmem>>, %arg2: memref<200x512xi32, #tpu.memory_space<vmem>>, %arg3: memref<26xf32, #tpu.memory_space<vmem>>, %arg4: memref<1x1xf32, #tpu.memory_space<smem>>) attributes {dimension_semantics = [#tpu.dimension_semantics<arbitrary>], iteration_bounds = array<i64: 8>, scalar_prefetch = 0 : i64, scratch_operands = 0 : i64, tpu.core_type = #tpu.core_type<tc>, window_params = [{transform_indices = @transform_0, window_bounds = array<i64: 200, 512>}, {transform_indices = @transform_1, window_bounds = array<i64: 200, 512>}, {pipeline_mode = #tpu.pipeline_mode<synchronous>, transform_indices = @transform_2, window_bounds = array<i64: 26>}, {transform_indices = @transform_3, window_bounds = array<i64: 1, 1>}]} {
    %get3A = arith.constant 0 : index
    %get3A_0 = arith.constant 0 : index
    %get3A_1 = vector.load %arg1[%get3A, %get3A_0] : memref<200x512xf32, #tpu.memory_space<vmem>>, vector<200x512xf32>
    %get3A_2 = arith.constant 0 : index
    %get3A_3 = arith.constant 0 : index
    %get3A_4 = vector.load %arg2[%get3A_2, %get3A_3] : memref<200x512xi32, #tpu.memory_space<vmem>>, vector<200x512xi32>
    %convert_element_type3A = arith.sitofp %get3A_4 : vector<200x512xi32> to vector<200x512xf32>
    %sub3A = arith.subf %get3A_1, %convert_element_type3A : vector<200x512xf32>
    %abs3A = math.absf %sub3A : vector<200x512xf32>
    %get3A_5 = arith.constant 0 : index
    %get3A_6 = vector.load %arg3[%get3A_5] : memref<26xf32, #tpu.memory_space<vmem>>, vector<26xf32>
    %broadcast_in_dim3A = arith.constant 0.000000e+00 : f32
    %broadcast_in_dim3A_7 = vector.broadcast %broadcast_in_dim3A : f32 to vector<200x512xf32>
    %eq3A = arith.constant 0 : i32
    %eq3A_8 = vector.broadcast %eq3A : i32 to vector<200x512xi32>
    %eq3A_9 = arith.cmpi eq, %get3A_4, %eq3A_8 : vector<200x512xi32>
    %slice3A = vector.extract_strided_slice %get3A_6 {offsets = [0], sizes = [1], strides = [1]} : vector<26xf32> to vector<1xf32>
    %squeeze3A = vector.extract %slice3A[0] : f32 from vector<1xf32>
    %broadcast_in_dim3A_10 = vector.broadcast %squeeze3A : f32 to vector<200x512xf32>
    %select_n3A = arith.select %eq3A_9, %broadcast_in_dim3A_10, %broadcast_in_dim3A_7 : vector<200x512xi1>, vector<200x512xf32>
    %eq3A_11 = arith.constant 1 : i32
    %eq3A_12 = vector.broadcast %eq3A_11 : i32 to vector<200x512xi32>
    %eq3A_13 = arith.cmpi eq, %get3A_4, %eq3A_12 : vector<200x512xi32>
    %slice3A_14 = vector.extract_strided_slice %get3A_6 {offsets = [1], sizes = [1], strides = [1]} : vector<26xf32> to vector<1xf32>
    %squeeze3A_15 = vector.extract %slice3A_14[0] : f32 from vector<1xf32>
    %broadcast_in_dim3A_16 = vector.broadcast %squeeze3A_15 : f32 to vector<200x512xf32>
    %select_n3A_17 = arith.select %eq3A_13, %broadcast_in_dim3A_16, %select_n3A : vector<200x512xi1>, vector<200x512xf32>
    %eq3A_18 = arith.constant 2 : i32
    %eq3A_19 = vector.broadcast %eq3A_18 : i32 to vector<200x512xi32>
    %eq3A_20 = arith.cmpi eq, %get3A_4, %eq3A_19 : vector<200x512xi32>
    %slice3A_21 = vector.extract_strided_slice %get3A_6 {offsets = [2], sizes = [1], strides = [1]} : vector<26xf32> to vector<1xf32>
    %squeeze3A_22 = vector.extract %slice3A_21[0] : f32 from vector<1xf32>
    %broadcast_in_dim3A_23 = vector.broadcast %squeeze3A_22 : f32 to vector<200x512xf32>
    %select_n3A_24 = arith.select %eq3A_20, %broadcast_in_dim3A_23, %select_n3A_17 : vector<200x512xi1>, vector<200x512xf32>
    %eq3A_25 = arith.constant 3 : i32
    %eq3A_26 = vector.broadcast %eq3A_25 : i32 to vector<200x512xi32>
    %eq3A_27 = arith.cmpi eq, %get3A_4, %eq3A_26 : vector<200x512xi32>
    %slice3A_28 = vector.extract_strided_slice %get3A_6 {offsets = [3], sizes = [1], strides = [1]} : vector<26xf32> to vector<1xf32>
    %squeeze3A_29 = vector.extract %slice3A_28[0] : f32 from vector<1xf32>
    %broadcast_in_dim3A_30 = vector.broadcast %squeeze3A_29 : f32 to vector<200x512xf32>
    %select_n3A_31 = arith.select %eq3A_27, %broadcast_in_dim3A_30, %select_n3A_24 : vector<200x512xi1>, vector<200x512xf32>
    %eq3A_32 = arith.constant 4 : i32
    %eq3A_33 = vector.broadcast %eq3A_32 : i32 to vector<200x512xi32>
    %eq3A_34 = arith.cmpi eq, %get3A_4, %eq3A_33 : vector<200x512xi32>
    %slice3A_35 = vector.extract_strided_slice %get3A_6 {offsets = [4], sizes = [1], strides = [1]} : vector<26xf32> to vector<1xf32>
    %squeeze3A_36 = vector.extract %slice3A_35[0] : f32 from vector<1xf32>
    %broadcast_in_dim3A_37 = vector.broadcast %squeeze3A_36 : f32 to vector<200x512xf32>
    %select_n3A_38 = arith.select %eq3A_34, %broadcast_in_dim3A_37, %select_n3A_31 : vector<200x512xi1>, vector<200x512xf32>
    %eq3A_39 = arith.constant 5 : i32
    %eq3A_40 = vector.broadcast %eq3A_39 : i32 to vector<200x512xi32>
    %eq3A_41 = arith.cmpi eq, %get3A_4, %eq3A_40 : vector<200x512xi32>
    %slice3A_42 = vector.extract_strided_slice %get3A_6 {offsets = [5], sizes = [1], strides = [1]} : vector<26xf32> to vector<1xf32>
    %squeeze3A_43 = vector.extract %slice3A_42[0] : f32 from vector<1xf32>
    %broadcast_in_dim3A_44 = vector.broadcast %squeeze3A_43 : f32 to vector<200x512xf32>
    %select_n3A_45 = arith.select %eq3A_41, %broadcast_in_dim3A_44, %select_n3A_38 : vector<200x512xi1>, vector<200x512xf32>
    %eq3A_46 = arith.constant 6 : i32
    %eq3A_47 = vector.broadcast %eq3A_46 : i32 to vector<200x512xi32>
    %eq3A_48 = arith.cmpi eq, %get3A_4, %eq3A_47 : vector<200x512xi32>
    %slice3A_49 = vector.extract_strided_slice %get3A_6 {offsets = [6], sizes = [1], strides = [1]} : vector<26xf32> to vector<1xf32>
    %squeeze3A_50 = vector.extract %slice3A_49[0] : f32 from vector<1xf32>
    %broadcast_in_dim3A_51 = vector.broadcast %squeeze3A_50 : f32 to vector<200x512xf32>
    %select_n3A_52 = arith.select %eq3A_48, %broadcast_in_dim3A_51, %select_n3A_45 : vector<200x512xi1>, vector<200x512xf32>
    %eq3A_53 = arith.constant 7 : i32
    %eq3A_54 = vector.broadcast %eq3A_53 : i32 to vector<200x512xi32>
    %eq3A_55 = arith.cmpi eq, %get3A_4, %eq3A_54 : vector<200x512xi32>
    %slice3A_56 = vector.extract_strided_slice %get3A_6 {offsets = [7], sizes = [1], strides = [1]} : vector<26xf32> to vector<1xf32>
    %squeeze3A_57 = vector.extract %slice3A_56[0] : f32 from vector<1xf32>
    %broadcast_in_dim3A_58 = vector.broadcast %squeeze3A_57 : f32 to vector<200x512xf32>
    %select_n3A_59 = arith.select %eq3A_55, %broadcast_in_dim3A_58, %select_n3A_52 : vector<200x512xi1>, vector<200x512xf32>
    %eq3A_60 = arith.constant 8 : i32
    %eq3A_61 = vector.broadcast %eq3A_60 : i32 to vector<200x512xi32>
    %eq3A_62 = arith.cmpi eq, %get3A_4, %eq3A_61 : vector<200x512xi32>
    %slice3A_63 = vector.extract_strided_slice %get3A_6 {offsets = [8], sizes = [1], strides = [1]} : vector<26xf32> to vector<1xf32>
    %squeeze3A_64 = vector.extract %slice3A_63[0] : f32 from vector<1xf32>
    %broadcast_in_dim3A_65 = vector.broadcast %squeeze3A_64 : f32 to vector<200x512xf32>
    %select_n3A_66 = arith.select %eq3A_62, %broadcast_in_dim3A_65, %select_n3A_59 : vector<200x512xi1>, vector<200x512xf32>
    %eq3A_67 = arith.constant 9 : i32
    %eq3A_68 = vector.broadcast %eq3A_67 : i32 to vector<200x512xi32>
    %eq3A_69 = arith.cmpi eq, %get3A_4, %eq3A_68 : vector<200x512xi32>
    %slice3A_70 = vector.extract_strided_slice %get3A_6 {offsets = [9], sizes = [1], strides = [1]} : vector<26xf32> to vector<1xf32>
    %squeeze3A_71 = vector.extract %slice3A_70[0] : f32 from vector<1xf32>
    %broadcast_in_dim3A_72 = vector.broadcast %squeeze3A_71 : f32 to vector<200x512xf32>
    %select_n3A_73 = arith.select %eq3A_69, %broadcast_in_dim3A_72, %select_n3A_66 : vector<200x512xi1>, vector<200x512xf32>
    %eq3A_74 = arith.constant 10 : i32
    %eq3A_75 = vector.broadcast %eq3A_74 : i32 to vector<200x512xi32>
    %eq3A_76 = arith.cmpi eq, %get3A_4, %eq3A_75 : vector<200x512xi32>
    %slice3A_77 = vector.extract_strided_slice %get3A_6 {offsets = [10], sizes = [1], strides = [1]} : vector<26xf32> to vector<1xf32>
    %squeeze3A_78 = vector.extract %slice3A_77[0] : f32 from vector<1xf32>
    %broadcast_in_dim3A_79 = vector.broadcast %squeeze3A_78 : f32 to vector<200x512xf32>
    %select_n3A_80 = arith.select %eq3A_76, %broadcast_in_dim3A_79, %select_n3A_73 : vector<200x512xi1>, vector<200x512xf32>
    %eq3A_81 = arith.constant 11 : i32
    %eq3A_82 = vector.broadcast %eq3A_81 : i32 to vector<200x512xi32>
    %eq3A_83 = arith.cmpi eq, %get3A_4, %eq3A_82 : vector<200x512xi32>
    %slice3A_84 = vector.extract_strided_slice %get3A_6 {offsets = [11], sizes = [1], strides = [1]} : vector<26xf32> to vector<1xf32>
    %squeeze3A_85 = vector.extract %slice3A_84[0] : f32 from vector<1xf32>
    %broadcast_in_dim3A_86 = vector.broadcast %squeeze3A_85 : f32 to vector<200x512xf32>
    %select_n3A_87 = arith.select %eq3A_83, %broadcast_in_dim3A_86, %select_n3A_80 : vector<200x512xi1>, vector<200x512xf32>
    %eq3A_88 = arith.constant 12 : i32
    %eq3A_89 = vector.broadcast %eq3A_88 : i32 to vector<200x512xi32>
    %eq3A_90 = arith.cmpi eq, %get3A_4, %eq3A_89 : vector<200x512xi32>
    %slice3A_91 = vector.extract_strided_slice %get3A_6 {offsets = [12], sizes = [1], strides = [1]} : vector<26xf32> to vector<1xf32>
    %squeeze3A_92 = vector.extract %slice3A_91[0] : f32 from vector<1xf32>
    %broadcast_in_dim3A_93 = vector.broadcast %squeeze3A_92 : f32 to vector<200x512xf32>
    %select_n3A_94 = arith.select %eq3A_90, %broadcast_in_dim3A_93, %select_n3A_87 : vector<200x512xi1>, vector<200x512xf32>
    %eq3A_95 = arith.constant 13 : i32
    %eq3A_96 = vector.broadcast %eq3A_95 : i32 to vector<200x512xi32>
    %eq3A_97 = arith.cmpi eq, %get3A_4, %eq3A_96 : vector<200x512xi32>
    %slice3A_98 = vector.extract_strided_slice %get3A_6 {offsets = [13], sizes = [1], strides = [1]} : vector<26xf32> to vector<1xf32>
    %squeeze3A_99 = vector.extract %slice3A_98[0] : f32 from vector<1xf32>
    %broadcast_in_dim3A_100 = vector.broadcast %squeeze3A_99 : f32 to vector<200x512xf32>
    %select_n3A_101 = arith.select %eq3A_97, %broadcast_in_dim3A_100, %select_n3A_94 : vector<200x512xi1>, vector<200x512xf32>
    %eq3A_102 = arith.constant 14 : i32
    %eq3A_103 = vector.broadcast %eq3A_102 : i32 to vector<200x512xi32>
    %eq3A_104 = arith.cmpi eq, %get3A_4, %eq3A_103 : vector<200x512xi32>
    %slice3A_105 = vector.extract_strided_slice %get3A_6 {offsets = [14], sizes = [1], strides = [1]} : vector<26xf32> to vector<1xf32>
    %squeeze3A_106 = vector.extract %slice3A_105[0] : f32 from vector<1xf32>
    %broadcast_in_dim3A_107 = vector.broadcast %squeeze3A_106 : f32 to vector<200x512xf32>
    %select_n3A_108 = arith.select %eq3A_104, %broadcast_in_dim3A_107, %select_n3A_101 : vector<200x512xi1>, vector<200x512xf32>
    %eq3A_109 = arith.constant 15 : i32
    %eq3A_110 = vector.broadcast %eq3A_109 : i32 to vector<200x512xi32>
    %eq3A_111 = arith.cmpi eq, %get3A_4, %eq3A_110 : vector<200x512xi32>
    %slice3A_112 = vector.extract_strided_slice %get3A_6 {offsets = [15], sizes = [1], strides = [1]} : vector<26xf32> to vector<1xf32>
    %squeeze3A_113 = vector.extract %slice3A_112[0] : f32 from vector<1xf32>
    %broadcast_in_dim3A_114 = vector.broadcast %squeeze3A_113 : f32 to vector<200x512xf32>
    %select_n3A_115 = arith.select %eq3A_111, %broadcast_in_dim3A_114, %select_n3A_108 : vector<200x512xi1>, vector<200x512xf32>
    %eq3A_116 = arith.constant 16 : i32
    %eq3A_117 = vector.broadcast %eq3A_116 : i32 to vector<200x512xi32>
    %eq3A_118 = arith.cmpi eq, %get3A_4, %eq3A_117 : vector<200x512xi32>
    %slice3A_119 = vector.extract_strided_slice %get3A_6 {offsets = [16], sizes = [1], strides = [1]} : vector<26xf32> to vector<1xf32>
    %squeeze3A_120 = vector.extract %slice3A_119[0] : f32 from vector<1xf32>
    %broadcast_in_dim3A_121 = vector.broadcast %squeeze3A_120 : f32 to vector<200x512xf32>
    %select_n3A_122 = arith.select %eq3A_118, %broadcast_in_dim3A_121, %select_n3A_115 : vector<200x512xi1>, vector<200x512xf32>
    %eq3A_123 = arith.constant 17 : i32
    %eq3A_124 = vector.broadcast %eq3A_123 : i32 to vector<200x512xi32>
    %eq3A_125 = arith.cmpi eq, %get3A_4, %eq3A_124 : vector<200x512xi32>
    %slice3A_126 = vector.extract_strided_slice %get3A_6 {offsets = [17], sizes = [1], strides = [1]} : vector<26xf32> to vector<1xf32>
    %squeeze3A_127 = vector.extract %slice3A_126[0] : f32 from vector<1xf32>
    %broadcast_in_dim3A_128 = vector.broadcast %squeeze3A_127 : f32 to vector<200x512xf32>
    %select_n3A_129 = arith.select %eq3A_125, %broadcast_in_dim3A_128, %select_n3A_122 : vector<200x512xi1>, vector<200x512xf32>
    %eq3A_130 = arith.constant 18 : i32
    %eq3A_131 = vector.broadcast %eq3A_130 : i32 to vector<200x512xi32>
    %eq3A_132 = arith.cmpi eq, %get3A_4, %eq3A_131 : vector<200x512xi32>
    %slice3A_133 = vector.extract_strided_slice %get3A_6 {offsets = [18], sizes = [1], strides = [1]} : vector<26xf32> to vector<1xf32>
    %squeeze3A_134 = vector.extract %slice3A_133[0] : f32 from vector<1xf32>
    %broadcast_in_dim3A_135 = vector.broadcast %squeeze3A_134 : f32 to vector<200x512xf32>
    %select_n3A_136 = arith.select %eq3A_132, %broadcast_in_dim3A_135, %select_n3A_129 : vector<200x512xi1>, vector<200x512xf32>
    %eq3A_137 = arith.constant 19 : i32
    %eq3A_138 = vector.broadcast %eq3A_137 : i32 to vector<200x512xi32>
    %eq3A_139 = arith.cmpi eq, %get3A_4, %eq3A_138 : vector<200x512xi32>
    %slice3A_140 = vector.extract_strided_slice %get3A_6 {offsets = [19], sizes = [1], strides = [1]} : vector<26xf32> to vector<1xf32>
    %squeeze3A_141 = vector.extract %slice3A_140[0] : f32 from vector<1xf32>
    %broadcast_in_dim3A_142 = vector.broadcast %squeeze3A_141 : f32 to vector<200x512xf32>
    %select_n3A_143 = arith.select %eq3A_139, %broadcast_in_dim3A_142, %select_n3A_136 : vector<200x512xi1>, vector<200x512xf32>
    %eq3A_144 = arith.constant 20 : i32
    %eq3A_145 = vector.broadcast %eq3A_144 : i32 to vector<200x512xi32>
    %eq3A_146 = arith.cmpi eq, %get3A_4, %eq3A_145 : vector<200x512xi32>
    %slice3A_147 = vector.extract_strided_slice %get3A_6 {offsets = [20], sizes = [1], strides = [1]} : vector<26xf32> to vector<1xf32>
    %squeeze3A_148 = vector.extract %slice3A_147[0] : f32 from vector<1xf32>
    %broadcast_in_dim3A_149 = vector.broadcast %squeeze3A_148 : f32 to vector<200x512xf32>
    %select_n3A_150 = arith.select %eq3A_146, %broadcast_in_dim3A_149, %select_n3A_143 : vector<200x512xi1>, vector<200x512xf32>
    %eq3A_151 = arith.constant 21 : i32
    %eq3A_152 = vector.broadcast %eq3A_151 : i32 to vector<200x512xi32>
    %eq3A_153 = arith.cmpi eq, %get3A_4, %eq3A_152 : vector<200x512xi32>
    %slice3A_154 = vector.extract_strided_slice %get3A_6 {offsets = [21], sizes = [1], strides = [1]} : vector<26xf32> to vector<1xf32>
    %squeeze3A_155 = vector.extract %slice3A_154[0] : f32 from vector<1xf32>
    %broadcast_in_dim3A_156 = vector.broadcast %squeeze3A_155 : f32 to vector<200x512xf32>
    %select_n3A_157 = arith.select %eq3A_153, %broadcast_in_dim3A_156, %select_n3A_150 : vector<200x512xi1>, vector<200x512xf32>
    %eq3A_158 = arith.constant 22 : i32
    %eq3A_159 = vector.broadcast %eq3A_158 : i32 to vector<200x512xi32>
    %eq3A_160 = arith.cmpi eq, %get3A_4, %eq3A_159 : vector<200x512xi32>
    %slice3A_161 = vector.extract_strided_slice %get3A_6 {offsets = [22], sizes = [1], strides = [1]} : vector<26xf32> to vector<1xf32>
    %squeeze3A_162 = vector.extract %slice3A_161[0] : f32 from vector<1xf32>
    %broadcast_in_dim3A_163 = vector.broadcast %squeeze3A_162 : f32 to vector<200x512xf32>
    %select_n3A_164 = arith.select %eq3A_160, %broadcast_in_dim3A_163, %select_n3A_157 : vector<200x512xi1>, vector<200x512xf32>
    %eq3A_165 = arith.constant 23 : i32
    %eq3A_166 = vector.broadcast %eq3A_165 : i32 to vector<200x512xi32>
    %eq3A_167 = arith.cmpi eq, %get3A_4, %eq3A_166 : vector<200x512xi32>
    %slice3A_168 = vector.extract_strided_slice %get3A_6 {offsets = [23], sizes = [1], strides = [1]} : vector<26xf32> to vector<1xf32>
    %squeeze3A_169 = vector.extract %slice3A_168[0] : f32 from vector<1xf32>
    %broadcast_in_dim3A_170 = vector.broadcast %squeeze3A_169 : f32 to vector<200x512xf32>
    %select_n3A_171 = arith.select %eq3A_167, %broadcast_in_dim3A_170, %select_n3A_164 : vector<200x512xi1>, vector<200x512xf32>
    %eq3A_172 = arith.constant 24 : i32
    %eq3A_173 = vector.broadcast %eq3A_172 : i32 to vector<200x512xi32>
    %eq3A_174 = arith.cmpi eq, %get3A_4, %eq3A_173 : vector<200x512xi32>
    %slice3A_175 = vector.extract_strided_slice %get3A_6 {offsets = [24], sizes = [1], strides = [1]} : vector<26xf32> to vector<1xf32>
    %squeeze3A_176 = vector.extract %slice3A_175[0] : f32 from vector<1xf32>
    %broadcast_in_dim3A_177 = vector.broadcast %squeeze3A_176 : f32 to vector<200x512xf32>
    %select_n3A_178 = arith.select %eq3A_174, %broadcast_in_dim3A_177, %select_n3A_171 : vector<200x512xi1>, vector<200x512xf32>
    %eq3A_179 = arith.constant 25 : i32
    %eq3A_180 = vector.broadcast %eq3A_179 : i32 to vector<200x512xi32>
    %eq3A_181 = arith.cmpi eq, %get3A_4, %eq3A_180 : vector<200x512xi32>
    %slice3A_182 = vector.extract_strided_slice %get3A_6 {offsets = [25], sizes = [1], strides = [1]} : vector<26xf32> to vector<1xf32>
    %squeeze3A_183 = vector.extract %slice3A_182[0] : f32 from vector<1xf32>
    %broadcast_in_dim3A_184 = vector.broadcast %squeeze3A_183 : f32 to vector<200x512xf32>
    %select_n3A_185 = arith.select %eq3A_181, %broadcast_in_dim3A_184, %select_n3A_178 : vector<200x512xi1>, vector<200x512xf32>
    %mul3A = arith.mulf %select_n3A_185, %abs3A : vector<200x512xf32>
    %reduce_sum3A = vector.shape_cast %mul3A : vector<200x512xf32> to vector<1x200x512xf32>
    %reduce_sum3A_186 = arith.constant dense<0.000000e+00> : vector<1xf32>
    %reduce_sum3A_187 = vector.multi_reduction <add>, %reduce_sum3A, %reduce_sum3A_186 [1, 2] : vector<1x200x512xf32> to vector<1xf32>
    %reduce_sum3A_188 = vector.shape_cast %reduce_sum3A_187 : vector<1xf32> to vector<1x1x1xf32>
    %reduce_sum3A_189 = vector.extract %reduce_sum3A_188[0, 0, 0] : f32 from vector<1x1x1xf32>
    %eq3A_190 = arith.constant 0 : i32
    %eq3A_191 = arith.cmpi eq, %arg0, %eq3A_190 : i32
    %convert_element_type3A_192 = arith.extui %eq3A_191 : i1 to i32
    %cond3A = arith.constant 0 : i32
    %cond3A_193 = arith.cmpi ne, %convert_element_type3A_192, %cond3A : i32
    scf.if %cond3A_193 {
      %swap3A_199 = arith.constant 0.000000e+00 : f32
      %swap3A_200 = arith.constant 0 : index
      %swap3A_201 = arith.constant 0 : index
      %swap3A_202 = memref.load %arg4[%swap3A_200, %swap3A_201] : memref<1x1xf32, #tpu.memory_space<smem>>
      memref.store %swap3A_199, %arg4[%swap3A_200, %swap3A_201] : memref<1x1xf32, #tpu.memory_space<smem>>
    } else {
    }
    %get3A_194 = arith.constant 0 : index
    %get3A_195 = arith.constant 0 : index
    %get3A_196 = memref.load %arg4[%get3A_194, %get3A_195] : memref<1x1xf32, #tpu.memory_space<smem>>
    %add3A = arith.addf %get3A_196, %reduce_sum3A_189 : f32
    %swap3A = arith.constant 0 : index
    %swap3A_197 = arith.constant 0 : index
    %swap3A_198 = memref.load %arg4[%swap3A, %swap3A_197] : memref<1x1xf32, #tpu.memory_space<smem>>
    memref.store %add3A, %arg4[%swap3A, %swap3A_197] : memref<1x1xf32, #tpu.memory_space<smem>>
    return
  }
  func.func @transform_0(%arg0: i32) -> (i32, i32) {
    %add3A = arith.constant 24 : i32
    %add3A_0 = arith.addi %add3A, %arg0 : i32
    %c0_i32 = arith.constant 0 : i32
    %c0_i32_1 = arith.constant 0 : i32
    return %c0_i32, %add3A_0 : i32, i32
  }
  func.func @transform_1(%arg0: i32) -> (i32, i32) {
    %add3A = arith.constant 24 : i32
    %add3A_0 = arith.addi %add3A, %arg0 : i32
    %c0_i32 = arith.constant 0 : i32
    %c0_i32_1 = arith.constant 0 : i32
    return %c0_i32, %add3A_0 : i32, i32
  }
  func.func @transform_2(%arg0: i32) -> i32 {
    %c0_i32 = arith.constant 0 : i32
    %c0_i32_0 = arith.constant 0 : i32
    return %c0_i32 : i32
  }
  func.func @transform_3(%arg0: i32) -> (i32, i32) {
    %c0_i32 = arith.constant 0 : i32
    %c0_i32_0 = arith.constant 0 : i32
    %c0_i32_1 = arith.constant 0 : i32
    return %c0_i32, %c0_i32_0 : i32, i32
  }
}

</mosaic_0001>

<sc_bundles>
// kernel: kernel.4.cloned.1.call-start
scs
__scs_entry_jumppad:
0x0: {  	(pc) =	sbr.rel $0x88, $3  }
0x1: {  	(tag) =	ssettag $0x0;
	lr =	simm.s32 $0x1  }
0x2: {  	[smem:$0x3F9E] =	sst lr;
	_ =	strace $0xD0000000  }
0x3: {  	_ = 	snop  }
0x4: {  	_ = 	snop  }
0x5: {  	_ = 	snop  }
0x6: {  	_ = 	snop  }
0x7: {  	_ = 	snop  }
__scs_overlays_trampoline_lowered:
0x8: {  	[smem:$0x3FAD] =	sst s0  }
0x9: {  	[smem:$0x3FAE] =	sst s1  }
0xa: {  	[smem:$0x3FAF] =	sst s2  }
0xb: {  	[smem:$0x3FB0] =	sst s3  }
0xc: {  	[smem:$0x3FB1] =	sst s4  }
0xd: {  	[smem:$0x3FB2] =	sst s5  }
0xe: {  	[smem:$0x3FB3] =	sst s6  }
0xf: {  	[smem:$0x3FB4] =	sst s7  }
0x10: {  	[smem:$0x3FB5] =	sst s8  }
0x11: {  	[smem:$0x3FB6] =	sst s9;
	s0 =	simm.s32 @!p0 $0x0  }
0x12: {  	s1 =	sld [smem:$0x3F9C];
	s0 =	simm.s32 @p0 $0x1  }
0x13: {  	[smem:$0x3FB7] =	sst s0;
	s0 =	simm.s32 @!p1 $0x0  }
0x14: {  	s2 =	sld [smem:$0x3F9B];
	s0 =	simm.s32 @p1 $0x1  }
0x15: {  	[smem:$0x3FB8] =	sst s0;
	s0 =	simm.s32 @!p2 $0x0  }
0x16: {  	s3 =	sld [smem:$0x3FDB];
	s0 =	simm.s32 @p2 $0x1  }
0x17: {  	s4 =	simm.s32 $0x1BF5;
	[smem:$0x3FBA] =	sst s0  }
0x18: {  	s0 =	sld [smem:$0x3F9D];
	_ =	swait.ge [sflag:s4], $0x0  }
0x19: {  	s7 =	sld [smem:$0x3F9E]  }
0x1a: {  	s8 =	sadd.s32 $0xFFFFE003, lr  }
0x1b: {  	s9 =	sadd.s32 $0xFFFFFEF7, lr;
	s5 =	simm.s32 $0xFFFFFFFF;
	p2 =	slt.u32 s8, $0xFFFFF086  }
0x1c: {  	p1 =	slt.u32 s9, $0xF7A;
	s5 =	simm.s32 @!p2 $0x0  }
0x1d: {  	s5 =	simm.s32 @p1 $0x1;
	p0 =	seq.s32 s7, s2  }
0x1e: {  	s7 =	smul.u32 @!p0 $0xF7A, s2;
	p2 =	seq.s32 @!p0 s5, $0x0  }
0x1f: {  	s9 =	smul.u32 $0xF7A, s1;
	s8 =	simm.s32 @!p0 $0x1BF5;
	p2 =	por !p2, p0  }
0x20: {  	[sflag:s8] =	ssyncset.s32 @!p0 $0xFFFFF086;
	s6 =	sadd.s32 @!p0 s3, s7;
	s7 =	simm.s32 @!p0 $0x108  }
0x21: {  	s3 =	sadd.s32 s3, s9;
	s6 =	sadd.s32 @!p0 $0x88, s6;
	s7 =	simm.s32 @p2 $0x1082  }
0x22: {  	[simem:s7], [sflag:s8] =	dma.local @!p0 [hbm:s6], $0xF7A  }
0x23: {  	s9 =	sor.u32 $0xD0000000, s2;
	s6 =	simm.s32 $0x108;
	_ =	swait.ge @!p0 [sflag:s8], $0x0  }
0x24: {  	s3 =	sadd.s32 $0x88, s3;
	s6 =	simm.s32 @!p1 $0x1082;
	[sflag:s4] =	ssyncset.s32 $0xFFFFF086  }
0x25: {  	[simem:s6], [sflag:s4] =	dma.local [hbm:s3], $0xF7A  }
0x26: {  	[smem:$0x3F9E] =	sst s1;
	(tag) =	ssettag s2;
	_ =	strace s9  }
0x27: {  	s1 =	sld [smem:$0x3FAE]  }
0x28: {  	s2 =	sld [smem:$0x3FAF]  }
0x29: {  	s4 =	sld [smem:$0x3FB1]  }
0x2a: {  	p0 =	seq.s32 s5, $0x0;
	s5 =	sld [smem:$0x3FB2]  }
0x2b: {  	s6 =	sld [smem:$0x3FB3]  }
0x2c: {  	s7 =	sld [smem:$0x3FB4]  }
0x2d: {  	s3 =	simm.s32 $0x108;
	s8 =	sld [smem:$0x3FB5]  }
0x2e: {  	s3 =	simm.s32 @!p0 $0x1082;
	s9 =	sld [smem:$0x3FB6]  }
0x2f: {  	lr =	sadd.s32 s0, s3;
	s0 =	sld [smem:$0x3FAD]  }
0x30: {  	s3 =	sld [smem:$0x3FB0]  }
0x31: {  	[smem:$0x3FB9] =	sst s10  }
0x32: {  	s10 =	sld [smem:$0x3FB7];
	_ =	sdelay $0x3  }
0x33: {  	p0 =	seq.s32 s10, $0x1;
	s10 =	sld [smem:$0x3FB9];
	_ =	sdelay $0x3  }
0x34: {  	[smem:$0x3FB9] =	sst s10  }
0x35: {  	s10 =	sld [smem:$0x3FB8];
	_ =	sdelay $0x3  }
0x36: {  	p1 =	seq.s32 s10, $0x1;
	s10 =	sld [smem:$0x3FB9];
	_ =	sdelay $0x3  }
0x37: {  	[smem:$0x3FB9] =	sst s10  }
0x38: {  	s10 =	sld [smem:$0x3FBA]  }
0x39: {  	_ = 	snop;
	(pc) =	sbr.ind lr, $3  }
0x3a: {  	_ = 	snop  }
0x3b: {  	_ = 	snop  }
0x3c: {  	p2 =	seq.s32 s10, $0x1;
	s10 =	sld [smem:$0x3FB9]  }
0x3d: {  	_ =	shalt  }
0x3e: {  	_ =	shalt  }
0x3f: {  	_ =	shalt  }
0x40: {  	_ =	shalt  }
0x41: {  	_ =	shalt  }
0x42: {  	_ =	shalt  }
0x43: {  	_ =	shalt  }
0x44: {  	_ =	shalt  }
0x45: {  	_ =	shalt  }
0x46: {  	_ =	shalt  }
0x47: {  	_ =	shalt  }
0x48: {  	_ =	shalt  }
0x49: {  	_ =	shalt  }
0x4a: {  	_ =	shalt  }
0x4b: {  	_ =	shalt  }
0x4c: {  	_ =	shalt  }
0x4d: {  	_ =	shalt  }
0x4e: {  	_ =	shalt  }
0x4f: {  	_ =	shalt  }
0x50: {  	_ =	shalt  }
0x51: {  	_ =	shalt  }
0x52: {  	_ =	shalt  }
0x53: {  	_ =	shalt  }
0x54: {  	_ =	shalt  }
0x55: {  	_ =	shalt  }
0x56: {  	_ =	shalt  }
0x57: {  	_ =	shalt  }
0x58: {  	_ =	shalt  }
0x59: {  	_ =	shalt  }
0x5a: {  	_ =	shalt  }
0x5b: {  	_ =	shalt  }
0x5c: {  	_ =	shalt  }
0x5d: {  	_ =	shalt  }
0x5e: {  	_ =	shalt  }
0x5f: {  	_ =	shalt  }
0x60: {  	_ =	shalt  }
0x61: {  	_ =	shalt  }
0x62: {  	_ =	shalt  }
0x63: {  	_ =	shalt  }
0x64: {  	_ =	shalt  }
0x65: {  	_ =	shalt  }
0x66: {  	_ =	shalt  }
0x67: {  	_ =	shalt  }
0x68: {  	_ =	shalt  }
0x69: {  	_ =	shalt  }
0x6a: {  	_ =	shalt  }
0x6b: {  	_ =	shalt  }
0x6c: {  	_ =	shalt  }
0x6d: {  	_ =	shalt  }
0x6e: {  	_ =	shalt  }
0x6f: {  	_ =	shalt  }
0x70: {  	_ =	shalt  }
0x71: {  	_ =	shalt  }
0x72: {  	_ =	shalt  }
0x73: {  	_ =	shalt  }
0x74: {  	_ =	shalt  }
0x75: {  	_ =	shalt  }
0x76: {  	_ =	shalt  }
0x77: {  	_ =	shalt  }
0x78: {  	_ =	shalt  }
0x79: {  	_ =	shalt  }
0x7a: {  	_ =	shalt  }
0x7b: {  	_ =	shalt  }
0x7c: {  	_ =	shalt  }
0x7d: {  	_ =	shalt  }
0x7e: {  	_ =	shalt  }
0x7f: {  	_ =	shalt  }
0x80: {  	_ =	shalt  }
0x81: {  	_ =	shalt  }
0x82: {  	_ =	shalt  }
0x83: {  	_ =	shalt  }
0x84: {  	_ =	shalt  }
0x85: {  	_ =	shalt  }
0x86: {  	_ =	shalt  }
0x87: {  	_ =	shalt  }
.Lfunc_end0:
.L_simem_size_0:
called_computation_lowered:
.L_overlay_start_0:
0x88: {  	s2 =	sld [smem:$0x3FD9]  }
0x89: {  	s3 =	sld [smem:$0x3FFE];
	_ =	sdelay $0x1  }
0x8a: {  	s1 =	srdreg.scid  }
0x8b: {  	s0 =	sand.u32 $0x1, s1  }
0x8c: {  	s17 =	sshll.u32 s0, $0xA;
	s2 =	sadd.s32 s3, s2  }
0x8d: {  	s2 =	sadd.s32 s2, s17  }
0x8e: {  	[smem:$0x3FC5] =	sst s2  }
0x8f: {  	_ = 	snop  }
0x90: {  	s2 =	sld [smem:$0x3FC9]  }
0x91: {  	s18 =	sld [smem:$0x3FC8]  }
0x92: {  	s4 =	sld [smem:$0x3FC7];
	(tm) =	ssettm $0x1  }
0x93: {  	s5 =	sld [smem:$0x3FFB];
	_ =	sdelay $0x3  }
0x94: {  	_ =	strace s5  }
0x95: {  	s5 =	sld [smem:$0x3FFC];
	_ =	sdelay $0x3  }
0x96: {  	_ =	strace s5  }
0x97: {  	s5 =	sld [smem:$0x3FFD];
	_ =	sdelay $0x3  }
0x98: {  	_ =	strace s5  }
0x99: {  	_ =	strace $0x8FFFFFFF  }
0x9a: {  	s19 =	sld [smem:$0x3FDB];
	_ =	sdelay $0x1  }
0x9b: {  	s6 =	simm.s32 $_scs_section_size  }
0x9c: {  	s7 =	simm.s32 $_size__tile_overlayer_lowered;
	s8 =	simm.s32 $_tile_overlayer_lowered  }
0x9d: {  	s22 =	simm.s32 $0x1BFF;
	s21 =	sshll.u32 s8, $0x1;
	s5 =	sadd.s32 s6, s19  }
0x9e: {  	s9 =	simm.s32 $0x0;
	s20 =	sshll.u32 s7, $0x1;
	s7 =	sadd.s32 s21, s5  }
0x9f: {  	[timem:s9], [sflag:s22] =	dma.local [hbm:s7], s20  }
0xa0: {  	_ =	swait.ge [sflag:s22], s20  }
0xa1: {  	s6 =	ssub.s32 $0x0, s20;
	[sflag:s22] =	ssyncset.done $0x0  }
0xa2: {  	[sflag:s22] =	ssyncadd.s32 s6;
	_ =	sdelay $0x1  }
0xa3: {  	s23 =	simm.s32 $0x1B8B  }
0xa4: {  	_ =	swait.ge [sflag:s23], $0x1  }
0xa5: {  	[sflag:s23] =	ssyncset.done $0x0  }
0xa6: {  	s25 =	simm.s32 $0x1B8E;
	s24 =	sld [smem:$0x3FFE];
	[sflag:s23] =	ssyncadd.s32 $0xFFFFFFFF  }
0xa7: {  	s26 =	simm.s32 $execute0_lowered;
	[smem:$0x3FD2] =	sst s25  }
0xa8: {  	s7 =	sshll.u32 s26, $0x1;
	_ =	strace $0x80000046;
	[dreg:$0x1] =	wrdreg $0xFFFFFFFF  }
0xa9: {  	s28 =	simm.s32 $_size_execute0_lowered;
	s5 =	sadd.s32 s5, s7;
	[dreg:$0x0] =	wrdreg $0x0  }
0xaa: {  	s7 =	sshll.u32 s28, $0x1;
	[dreg:$0x2] =	wrdreg s5  }
0xab: {  	[dreg:$0x3] =	wrdreg s7  }
0xac: {  	[dreg:$0x4] =	wrdreg $0xC0  }
0xad: {  	_ =	task [dreg:s9], $0x5FFFF  }
0xae: {  	[dreg:$0x1] =	wrdreg $0xFFFFFFFF  }
0xaf: {  	[dreg:$0x0] =	wrdreg $0x60  }
0xb0: {  	[dreg:$0x2] =	wrdreg s2  }
0xb1: {  	[dreg:$0x3] =	wrdreg s18  }
0xb2: {  	[dreg:$0x4] =	wrdreg s4  }
0xb3: {  	[dreg:$0x5] =	wrdreg s24  }
0xb4: {  	[dreg:$0x6] =	wrdreg $0x9  }
0xb5: {  	_ =	task.clear_ibuf [dreg:s9], $0x7FFFF;
	_ =	strace $0x90000046  }
0xb6: {  	s29 =	simm.s32 $0x9;
	_ =	strace $0x80000048  }
0xb7: {  	_ =	swait.ge [sflag:s29], $0x1  }
0xb8: {  	[sflag:s29] =	ssyncadd.s32 $0xFFFFFFFF  }
0xb9: {  	_ =	strace $0x90000048  }
0xba: {  	_ =	sfence  }
0xbb: {  	s30 =	sld [smem:$0x0];
	_ =	sdelay $0x2  }
0xbc: {  	s31 =	sshll.u32 s1, $0xD;
	s1 =	sshrl.u32 s1, $0x2  }
0xbd: {  	s3 =	sand.u32 $0x4000, s31;
	s1 =	sadd.s32 s1, s30  }
0xbe: {  	s0 =	sor.u32 s3, s0;
	s1 =	sshll.u32 s1, $0x11  }
0xbf: {  	s0 =	sor.u32 s1, s0  }
0xc0: {  	s0 =	sadd.s32 $0x8F2B, s0  }
0xc1: {  	[sflag:s0] =	ssyncadd.remote.s32 $0x1  }
0xc2: {  	_ =	sfence.sel $0xFFFF  }
0xc3: {  	[dreg:$0x0] =	wrdreg $0xFFFFFFFF;
	(pc) =	sbr.abs _section_cstart, $3  }
0xc4: {  	[dreg:$0x1] =	wrdreg $0xFFFFFFFF  }
0xc5: {  	_ =	task.clear_ibuf [dreg:s9], $0x2FFFF;
	_ =	strace $0x9FFFFFFF  }
0xc6: {  	(tm) =	ssettm $0x7FFFFFFF  }
0xc7: {  	_ =	shalt  }
tec
execute0_lowered:
.L_overlay_start_1:
0x0: {  	(tag) =	ssettag $0x1  }
0x1: {  	s8 =	rddreg [dreg:$0x0]  }
0x2: {  	s9 =	rddreg [dreg:$0x1];
	s1 =	srdreg.scid  }
0x3: {  	s0 =	stileid.u32;
	s2 =	rddreg [dreg:$0x2]  }
0x4: {  	s10 =	rddreg [dreg:$0x3];
	s3 =	simm.s32 $0x0;
	s15 =	simm.s32 $0x80  }
0x5: {  	s16 =	simm.s32 $0xC880;
	s17 =	simm.s32 $0x1;
	s18 =	simm.s32 $0x6480  }
0x6: {  	s19 =	simm.s32 $0x12C80;
	s20 =	simm.s32 $0x2;
	s21 =	simm.s32 $0x19080  }
0x7: {  	s4 =	sand.u32 $0x1, s1;
	s31 =	sshll.u32 s0, $0x1;
	s1 =	rddreg [dreg:$0x4]  }
0x8: {  	s22 =	simm.s32 $0x0;
	[smem:$0x7FF] =	sst s3;
	s11 =	sor.u32 s4, s31  }
0x9: {  	s4 =	ssub.s32 $0x2, s4;
	_ =	strace $0x80000047;
	s5 =	smul.u32 $0xC00, s11  }
0xa: {  	s6 =	sshrl.u32 s4, $0x1;
	s7 =	smul.u32 $0x180, s11;
	s11 =	sshll.u32 s11, $0x4  }
0xb: {  	s13 =	ssub.s32 s4, s6;
	s10 =	sadd.s32 s10, s11;
	s12 =	sshrl.u32 s5, $0x3  }
0xc: {  	s4 =	sadd.s32 s8, s7;
	s5 =	sadd.s32 s9, s7;
	s11 =	smax.u32 s13, $0x1  }
0xd: {  	s13 =	simm.s32 $0x400;
	s14 =	sadd.s32 $0x80, s12;
	s12 =	sadd.s32 $0x100, s12  }
0xe: {  	s6 =	sadd.s32 s8, s14;
	s7 =	sadd.s32 s9, s14;
	s8 =	sadd.s32 s8, s12  }
0xf: {  	s9 =	sadd.s32 s9, s12;
	s12 =	simm.s32 $0x3;
	s14 =	simm.s32 $0x20000  }
.LBB2_1:
0x10: {  	[tilespmem:s3], [sflag:$0x3] =	stream.linear.gather [hbm4b:s2+s3], $0x1A, $0x38;
	[tilespmem:$0x19100] =	vst v63  }
0x11: {  	_ =	swait.ge [sflag:s12], $0x1A  }
0x12: {  	[sflag:s12] =	ssyncset.done $0x0  }
0x13: {  	[sflag:s12] =	ssyncadd.s32 $0xFFFFFFE6  }
0x14: {  	[tilespmem:s15], [sflag:$0x1] =	stream.strided.gather [hbm4b:s4+s13], $0x6400, s14, s13, $0x38;
	[tilespmem:$0x19100] =	vst v63  }
0x15: {  	_ = 	snop  }
0x16: {  	[tilespmem:s16], [sflag:$0x1] =	stream.strided.gather [hbm4b:s5+s13], $0x6400, s14, s13, $0x38;
	[tilespmem:$0x19100] =	vst v63  }
0x17: {  	_ =	swait.ge [sflag:s17], $0x6400  }
0x18: {  	[sflag:s17] =	ssyncset.done $0x0  }
0x19: {  	[sflag:s17] =	ssyncadd.s32 $0xFFFF9C00  }
0x1a: {  	_ =	swait.ge [sflag:s17], $0x6400  }
0x1b: {  	[sflag:s17] =	ssyncset.done $0x0  }
0x1c: {  	[sflag:s17] =	ssyncadd.s32 $0xFFFF9C00  }
0x1d: {  	[tilespmem:s18], [sflag:$0x2] =	stream.strided.gather [hbm4b:s6+s13], $0x6400, s14, s13, $0x38;
	[tilespmem:$0x19100] =	vst v63  }
0x1e: {  	s24 =	simm.s32 $0x0  }
0x1f: {  	[tilespmem:s19], [sflag:$0x2] =	stream.strided.gather [hbm4b:s7+s13], $0x6400, s14, s13, $0x38;
	[tilespmem:$0x19100] =	vst v63  }
0x20: {  	v5 =	vld [tilespmem:s24+$0xC0]  }
0x21: {  	v4 =	vld [tilespmem:s24+$0xD0]  }
0x22: {  	v7 =	vld [tilespmem:s24+$0xE0]  }
0x23: {  	v6 =	vld [tilespmem:s24+$0xF0]  }
0x24: {  	v9 =	vld [tilespmem:s24+$0x80]  }
0x25: {  	v8 =	vld [tilespmem:s24+$0x90]  }
0x26: {  	v13 =	vld [tilespmem:s24+$0xC8C0]  }
0x27: {  	v16 =	vld [tilespmem:s24+$0xC8D0]  }
0x28: {  	v11 =	vld [tilespmem:s24+$0xC8E0]  }
0x29: {  	v10 =	vld [tilespmem:s24+$0xC8F0]  }
0x2a: {  	v15 =	vld [tilespmem:s24+$0xC880]  }
0x2b: {  	v0 =	vimm.f32 $0.0e+00;
	v14 =	vld [tilespmem:s24+$0xC890]  }
0x2c: {  	s23 =	simm.s32 $0x200;
	v3 =	vimm.f32 $0.0e+00;
	v1 =	vimm.f32 $0.0e+00;
	v2 =	vimm.f32 $0.0e+00;
	v12 =	vld [tilespmem:s24+$0xC8A0]  }
.LBB2_2:
0x2d: {  	p0 =	sne.s32 s23, $0x18E00;
	v17 =	vld [tilespmem:s24+$0xC8B0]  }
0x2e: {  	v18 =	vld [tilespmem:s24+$0xA0]  }
0x2f: {  	v19 =	vld [tilespmem:s24+$0xB0]  }
0x30: {  	v20 =	vld.idx.msk [tilespmem:v13+s3+$0x0], $0xffff  }
0x31: {  	v13 =	vcvt.s32.f32 v13;
	v21 =	vld.idx.msk [tilespmem:v16+s3+$0x0], $0xffff;
	v16 =	vcvt.s32.f32 v16  }
0x32: {  	v23 =	vcvt.s32.f32 v11;
	v24 =	vcvt.s32.f32 v10;
	v22 =	vld.idx.msk [tilespmem:v15+s3+$0x0], $0xffff  }
0x33: {  	v15 =	vcvt.s32.f32 v15;
	v5 =	vsub.f32 v5, v13;
	v25 =	vld.idx.msk [tilespmem:v14+s3+$0x0], $0xffff;
	v14 =	vcvt.s32.f32 v14  }
0x34: {  	v7 =	vsub.f32 v7, v23;
	v4 =	vsub.f32 v4, v16;
	v13 =	vld.idx.msk [tilespmem:v12+s3+$0x0], $0xffff;
	v12 =	vcvt.s32.f32 v12  }
0x35: {  	v16 =	vcvt.s32.f32 v17;
	v9 =	vsub.f32 v9, v15;
	v15 =	vld.idx.msk [tilespmem:v17+s3+$0x0], $0xffff;
	v17 =	vsub.f32 v6, v24  }
0x36: {  	v6 =	vsub.f32 v8, v14;
	v8 =	vsub.f32 v18, v12;
	v11 =	vld.idx.msk [tilespmem:v11+s3+$0x0], $0xffff  }
0x37: {  	s24 =	sshra.s32 s23, $0x2;
	v14 =	vand.u32 $0x7FFFFFFF, v5;
	v12 =	vsub.f32 v19, v16;
	v16 =	vand.u32 $0x7FFFFFFF, v4;
	v10 =	vld.idx.msk [tilespmem:v10+s3+$0x0], $0xffff  }
0x38: {  	v9 =	vand.u32 $0x7FFFFFFF, v9;
	v18 =	vand.u32 $0x7FFFFFFF, v7;
	v6 =	vand.u32 $0x7FFFFFFF, v6;
	v5 =	vld [tilespmem:s24+$0xC0]  }
0x39: {  	v14 =	vmul.f32 v14, v20;
	v16 =	vmul.f32 v16, v21;
	v8 =	vand.u32 $0x7FFFFFFF, v8;
	v4 =	vld [tilespmem:s24+$0xD0]  }
0x3a: {  	v19 =	vmul.f32 v9, v22;
	v20 =	vmul.f32 v6, v25;
	v9 =	vand.u32 $0x7FFFFFFF, v12;
	v7 =	vld [tilespmem:s24+$0xE0]  }
0x3b: {  	v12 =	vmul.f32 v8, v13;
	v13 =	vmul.f32 v9, v15;
	v15 =	vand.u32 $0x7FFFFFFF, v17;
	v6 =	vld [tilespmem:s24+$0xF0]  }
0x3c: {  	v0 =	vadd.f32 v19, v0;
	v3 =	vadd.f32 v20, v3;
	v11 =	vmul.f32 v18, v11;
	v9 =	vld [tilespmem:s24+$0x80]  }
0x3d: {  	v1 =	vadd.f32 v12, v1;
	v2 =	vadd.f32 v13, v2;
	v10 =	vmul.f32 v15, v10;
	v8 =	vld [tilespmem:s24+$0x90]  }
0x3e: {  	v0 =	vadd.f32 v14, v0;
	v3 =	vadd.f32 v16, v3;
	v13 =	vld [tilespmem:s24+$0xC8C0]  }
0x3f: {  	v1 =	vadd.f32 v11, v1;
	v2 =	vadd.f32 v10, v2;
	v16 =	vld [tilespmem:s24+$0xC8D0]  }
.Ltmp0:
0x40: {  	v11 =	vld [tilespmem:s24+$0xC8E0];
	(pc) =	sbr.rel @p0 .LBB2_2-.Ltmp0, $4  }
0x41: {  	v10 =	vld [tilespmem:s24+$0xC8F0]  }
0x42: {  	v15 =	vld [tilespmem:s24+$0xC880]  }
0x43: {  	v14 =	vld [tilespmem:s24+$0xC890]  }
0x44: {  	s23 =	sadd.s32 $0x200, s23;
	v12 =	vld [tilespmem:s24+$0xC8A0]  }
0x45: {  	_ = 	snop  }
0x46: {  	v17 =	vld [tilespmem:s24+$0xC8B0]  }
0x47: {  	v18 =	vld [tilespmem:s24+$0xA0]  }
0x48: {  	v19 =	vld [tilespmem:s24+$0xB0]  }
0x49: {  	v20 =	vld.idx.msk [tilespmem:v13+s3+$0x0], $0xffff  }
0x4a: {  	v21 =	vld.idx.msk [tilespmem:v16+s3+$0x0], $0xffff  }
0x4b: {  	v26 =	vld.idx.msk [tilespmem:v11+s3+$0x0], $0xffff  }
0x4c: {  	v27 =	vld.idx.msk [tilespmem:v10+s3+$0x0], $0xffff  }
0x4d: {  	v22 =	vld.idx.msk [tilespmem:v15+s3+$0x0], $0xffff  }
0x4e: {  	v23 =	vld.idx.msk [tilespmem:v14+s3+$0x0], $0xffff  }
0x4f: {  	v24 =	vld.idx.msk [tilespmem:v12+s3+$0x0], $0xffff  }
0x50: {  	v25 =	vld.idx.msk [tilespmem:v17+s3+$0x0], $0xffff;
	_ =	swait.ge [sflag:s20], $0x6400  }
0x51: {  	[sflag:s20] =	ssyncset.done $0x0  }
0x52: {  	[sflag:s20] =	ssyncadd.s32 $0xFFFF9C00  }
0x53: {  	_ =	swait.ge [sflag:s20], $0x6400  }
0x54: {  	[sflag:s20] =	ssyncset.done $0x0  }
0x55: {  	[sflag:s20] =	ssyncadd.s32 $0xFFFF9C00  }
0x56: {  	[tilespmem:s15], [sflag:$0x1] =	stream.strided.gather [hbm4b:s8+s13], $0x6400, s14, s13, $0x38;
	[tilespmem:$0x19100] =	vst v63  }
0x57: {  	v13 =	vcvt.s32.f32 v13;
	s23 =	simm.s32 $0x0  }
0x58: {  	v16 =	vcvt.s32.f32 v16;
	v11 =	vcvt.s32.f32 v11;
	[tilespmem:s16], [sflag:$0x1] =	stream.strided.gather [hbm4b:s9+s13], $0x6400, s14, s13, $0x38;
	[tilespmem:$0x19100] =	vst v63  }
0x59: {  	v10 =	vcvt.s32.f32 v10;
	v13 =	vsub.f32 v5, v13;
	v15 =	vcvt.s32.f32 v15;
	v5 =	vld [tilespmem:s23+$0x64C0]  }
0x5a: {  	v16 =	vsub.f32 v4, v16;
	v11 =	vsub.f32 v7, v11;
	v14 =	vcvt.s32.f32 v14;
	v4 =	vld [tilespmem:s23+$0x64D0]  }
0x5b: {  	v10 =	vsub.f32 v6, v10;
	v12 =	vcvt.s32.f32 v12;
	v9 =	vsub.f32 v9, v15;
	v7 =	vld [tilespmem:s23+$0x64E0]  }
0x5c: {  	v13 =	vand.u32 $0x7FFFFFFF, v13;
	v16 =	vand.u32 $0x7FFFFFFF, v16;
	v15 =	vcvt.s32.f32 v17;
	v6 =	vld [tilespmem:s23+$0x64F0]  }
0x5d: {  	v14 =	vsub.f32 v8, v14;
	v16 =	vmul.f32 v16, v21;
	v12 =	vsub.f32 v18, v12;
	v8 =	vld [tilespmem:s23+$0x6480]  }
0x5e: {  	v18 =	vand.u32 $0x7FFFFFFF, v11;
	v15 =	vsub.f32 v19, v15;
	v17 =	vand.u32 $0x7FFFFFFF, v9;
	v9 =	vld [tilespmem:s23+$0x6490]  }
0x5f: {  	v14 =	vand.u32 $0x7FFFFFFF, v14;
	v19 =	vmul.f32 v13, v20;
	v11 =	vand.u32 $0x7FFFFFFF, v12;
	v12 =	vld [tilespmem:s23+$0x12CC0]  }
0x60: {  	v14 =	vmul.f32 v14, v23;
	v17 =	vmul.f32 v17, v22;
	v15 =	vand.u32 $0x7FFFFFFF, v15;
	v13 =	vld [tilespmem:s23+$0x12CD0]  }
0x61: {  	v62 =	vand.u32 $0x7FFFFFFF, v10;
	v61 =	vmul.f32 v11, v24;
	v15 =	vmul.f32 v15, v25;
	v11 =	vld [tilespmem:s23+$0x12CE0]  }
0x62: {  	v63 =	vmul.f32 v62, v27;
	v3 =	vadd.f32 v14, v3;
	v0 =	vadd.f32 v17, v0;
	v10 =	vld [tilespmem:s23+$0x12CF0]  }
0x63: {  	v17 =	vmul.f32 v18, v26;
	v1 =	vadd.f32 v61, v1;
	v18 =	vadd.f32 v15, v2;
	v14 =	vld [tilespmem:s23+$0x12C80]  }
0x64: {  	v3 =	vadd.f32 v16, v3;
	v2 =	vadd.f32 v19, v0;
	v15 =	vld [tilespmem:s23+$0x12C90]  }
0x65: {  	s24 =	simm.s32 $0x200;
	v0 =	vadd.f32 v17, v1;
	v1 =	vadd.f32 v63, v18;
	v16 =	vld [tilespmem:s23+$0x12CA0]  }
.LBB2_4:
0x66: {  	p0 =	sne.s32 s24, $0x18E00;
	v17 =	vld [tilespmem:s23+$0x12CB0]  }
0x67: {  	v18 =	vld [tilespmem:s23+$0x64A0]  }
0x68: {  	v19 =	vld [tilespmem:s23+$0x64B0]  }
0x69: {  	v20 =	vld.idx.msk [tilespmem:v12+s3+$0x0], $0xffff  }
0x6a: {  	v12 =	vcvt.s32.f32 v12;
	v21 =	vld.idx.msk [tilespmem:v13+s3+$0x0], $0xffff;
	v13 =	vcvt.s32.f32 v13  }
0x6b: {  	v23 =	vcvt.s32.f32 v11;
	v24 =	vcvt.s32.f32 v10;
	v22 =	vld.idx.msk [tilespmem:v14+s3+$0x0], $0xffff  }
0x6c: {  	v14 =	vcvt.s32.f32 v14;
	v5 =	vsub.f32 v5, v12;
	v25 =	vld.idx.msk [tilespmem:v15+s3+$0x0], $0xffff;
	v15 =	vcvt.s32.f32 v15  }
0x6d: {  	v7 =	vsub.f32 v7, v23;
	v4 =	vsub.f32 v4, v13;
	v12 =	vld.idx.msk [tilespmem:v16+s3+$0x0], $0xffff;
	v16 =	vcvt.s32.f32 v16  }
0x6e: {  	v8 =	vsub.f32 v8, v14;
	v14 =	vcvt.s32.f32 v17;
	v13 =	vld.idx.msk [tilespmem:v17+s3+$0x0], $0xffff;
	v17 =	vsub.f32 v6, v24  }
0x6f: {  	v6 =	vsub.f32 v9, v15;
	v9 =	vsub.f32 v18, v16;
	v11 =	vld.idx.msk [tilespmem:v11+s3+$0x0], $0xffff  }
0x70: {  	s23 =	sshra.s32 s24, $0x2;
	v15 =	vand.u32 $0x7FFFFFFF, v5;
	v14 =	vsub.f32 v19, v14;
	v16 =	vand.u32 $0x7FFFFFFF, v4;
	v10 =	vld.idx.msk [tilespmem:v10+s3+$0x0], $0xffff  }
0x71: {  	v8 =	vand.u32 $0x7FFFFFFF, v8;
	v18 =	vand.u32 $0x7FFFFFFF, v7;
	v6 =	vand.u32 $0x7FFFFFFF, v6;
	v5 =	vld [tilespmem:s23+$0x64C0]  }
0x72: {  	v15 =	vmul.f32 v15, v20;
	v16 =	vmul.f32 v16, v21;
	v9 =	vand.u32 $0x7FFFFFFF, v9;
	v4 =	vld [tilespmem:s23+$0x64D0]  }
0x73: {  	v19 =	vmul.f32 v8, v22;
	v20 =	vmul.f32 v6, v25;
	v8 =	vand.u32 $0x7FFFFFFF, v14;
	v7 =	vld [tilespmem:s23+$0x64E0]  }
0x74: {  	v14 =	vand.u32 $0x7FFFFFFF, v17;
	v12 =	vmul.f32 v9, v12;
	v13 =	vmul.f32 v8, v13;
	v6 =	vld [tilespmem:s23+$0x64F0]  }
0x75: {  	v2 =	vadd.f32 v19, v2;
	v3 =	vadd.f32 v20, v3;
	v11 =	vmul.f32 v18, v11;
	v8 =	vld [tilespmem:s23+$0x6480]  }
0x76: {  	v0 =	vadd.f32 v12, v0;
	v1 =	vadd.f32 v13, v1;
	v10 =	vmul.f32 v14, v10;
	v9 =	vld [tilespmem:s23+$0x6490]  }
0x77: {  	v2 =	vadd.f32 v15, v2;
	v3 =	vadd.f32 v16, v3;
	v12 =	vld [tilespmem:s23+$0x12CC0]  }
0x78: {  	v0 =	vadd.f32 v11, v0;
	v1 =	vadd.f32 v10, v1;
	v13 =	vld [tilespmem:s23+$0x12CD0]  }
.Ltmp1:
0x79: {  	v11 =	vld [tilespmem:s23+$0x12CE0];
	(pc) =	sbr.rel @p0 .LBB2_4-.Ltmp1, $4  }
0x7a: {  	v10 =	vld [tilespmem:s23+$0x12CF0]  }
0x7b: {  	v14 =	vld [tilespmem:s23+$0x12C80]  }
0x7c: {  	v15 =	vld [tilespmem:s23+$0x12C90]  }
0x7d: {  	s24 =	sadd.s32 $0x200, s24;
	v16 =	vld [tilespmem:s23+$0x12CA0]  }
0x7e: {  	_ = 	snop  }
0x7f: {  	v17 =	vld [tilespmem:s23+$0x12CB0]  }
0x80: {  	v18 =	vld [tilespmem:s23+$0x64A0]  }
0x81: {  	v19 =	vld [tilespmem:s23+$0x64B0]  }
0x82: {  	v20 =	vld.idx.msk [tilespmem:v12+s3+$0x0], $0xffff  }
0x83: {  	v21 =	vld.idx.msk [tilespmem:v13+s3+$0x0], $0xffff  }
0x84: {  	v26 =	vld.idx.msk [tilespmem:v11+s3+$0x0], $0xffff  }
0x85: {  	v27 =	vld.idx.msk [tilespmem:v10+s3+$0x0], $0xffff  }
0x86: {  	v22 =	vld.idx.msk [tilespmem:v14+s3+$0x0], $0xffff  }
0x87: {  	v23 =	vld.idx.msk [tilespmem:v15+s3+$0x0], $0xffff  }
0x88: {  	v24 =	vld.idx.msk [tilespmem:v16+s3+$0x0], $0xffff  }
0x89: {  	v25 =	vld.idx.msk [tilespmem:v17+s3+$0x0], $0xffff;
	_ =	swait.ge [sflag:s17], $0x6400  }
0x8a: {  	[sflag:s17] =	ssyncset.done $0x0  }
0x8b: {  	[sflag:s17] =	ssyncadd.s32 $0xFFFF9C00  }
0x8c: {  	_ =	swait.ge [sflag:s17], $0x6400  }
0x8d: {  	v12 =	vcvt.s32.f32 v12;
	[sflag:s17] =	ssyncset.done $0x0  }
0x8e: {  	v13 =	vcvt.s32.f32 v13;
	v11 =	vcvt.s32.f32 v11;
	s23 =	simm.s32 $0x0;
	[sflag:s17] =	ssyncadd.s32 $0xFFFF9C00  }
0x8f: {  	v10 =	vcvt.s32.f32 v10;
	v12 =	vsub.f32 v5, v12;
	v14 =	vcvt.s32.f32 v14;
	v5 =	vld [tilespmem:s23+$0xC0]  }
0x90: {  	v13 =	vsub.f32 v4, v13;
	v11 =	vsub.f32 v7, v11;
	v4 =	vcvt.s32.f32 v15;
	v7 =	vld [tilespmem:s23+$0xD0]  }
0x91: {  	v10 =	vsub.f32 v6, v10;
	v14 =	vsub.f32 v8, v14;
	v8 =	vcvt.s32.f32 v17;
	v6 =	vld [tilespmem:s23+$0xE0]  }
0x92: {  	v15 =	vcvt.s32.f32 v16;
	v13 =	vand.u32 $0x7FFFFFFF, v13;
	v9 =	vsub.f32 v9, v4;
	v4 =	vld [tilespmem:s23+$0xF0]  }
0x93: {  	v12 =	vand.u32 $0x7FFFFFFF, v12;
	v62 =	vmul.f32 v13, v21;
	v16 =	vsub.f32 v19, v8;
	v8 =	vld [tilespmem:s23+$0x80]  }
0x94: {  	v15 =	vsub.f32 v18, v15;
	v14 =	vand.u32 $0x7FFFFFFF, v14;
	v17 =	vand.u32 $0x7FFFFFFF, v9;
	v9 =	vld [tilespmem:s23+$0x90]  }
0x95: {  	v18 =	vand.u32 $0x7FFFFFFF, v11;
	v19 =	vmul.f32 v12, v20;
	v14 =	vmul.f32 v14, v22;
	v12 =	vld [tilespmem:s23+$0xC8C0]  }
0x96: {  	v11 =	vand.u32 $0x7FFFFFFF, v15;
	v15 =	vmul.f32 v17, v23;
	v16 =	vand.u32 $0x7FFFFFFF, v16;
	v13 =	vld [tilespmem:s23+$0xC8D0]  }
0x97: {  	v63 =	vand.u32 $0x7FFFFFFF, v10;
	v17 =	vmul.f32 v11, v24;
	v16 =	vmul.f32 v16, v25;
	v11 =	vld [tilespmem:s23+$0xC8E0]  }
0x98: {  	v2 =	vadd.f32 v14, v2;
	v14 =	vmul.f32 v18, v26;
	v3 =	vadd.f32 v15, v3;
	v10 =	vld [tilespmem:s23+$0xC8F0]  }
0x99: {  	v18 =	vmul.f32 v63, v27;
	v0 =	vadd.f32 v17, v0;
	v15 =	vld [tilespmem:s23+$0xC880];
	v17 =	vadd.f32 v16, v1  }
0x9a: {  	v2 =	vadd.f32 v19, v2;
	v3 =	vadd.f32 v62, v3;
	v16 =	vld [tilespmem:s23+$0xC890]  }
0x9b: {  	s24 =	simm.s32 $0x200;
	v1 =	vadd.f32 v14, v0;
	v14 =	vld [tilespmem:s23+$0xC8A0];
	v0 =	vadd.f32 v18, v17  }
.LBB2_6:
0x9c: {  	p0 =	sne.s32 s24, $0x18E00;
	v17 =	vld [tilespmem:s23+$0xC8B0]  }
0x9d: {  	v18 =	vld [tilespmem:s23+$0xA0]  }
0x9e: {  	v19 =	vld [tilespmem:s23+$0xB0]  }
0x9f: {  	v20 =	vld.idx.msk [tilespmem:v12+s3+$0x0], $0xffff  }
0xa0: {  	v12 =	vcvt.s32.f32 v12;
	v21 =	vld.idx.msk [tilespmem:v13+s3+$0x0], $0xffff;
	v13 =	vcvt.s32.f32 v13  }
0xa1: {  	v23 =	vcvt.s32.f32 v11;
	v24 =	vcvt.s32.f32 v10;
	v22 =	vld.idx.msk [tilespmem:v15+s3+$0x0], $0xffff  }
0xa2: {  	v15 =	vcvt.s32.f32 v15;
	v5 =	vsub.f32 v5, v12;
	v25 =	vld.idx.msk [tilespmem:v16+s3+$0x0], $0xffff;
	v16 =	vcvt.s32.f32 v16  }
0xa3: {  	v6 =	vsub.f32 v6, v23;
	v7 =	vsub.f32 v7, v13;
	v12 =	vld.idx.msk [tilespmem:v14+s3+$0x0], $0xffff;
	v14 =	vcvt.s32.f32 v14  }
0xa4: {  	v8 =	vsub.f32 v8, v15;
	v15 =	vcvt.s32.f32 v17;
	v13 =	vld.idx.msk [tilespmem:v17+s3+$0x0], $0xffff;
	v17 =	vsub.f32 v4, v24  }
0xa5: {  	v4 =	vsub.f32 v9, v16;
	v9 =	vsub.f32 v18, v14;
	v11 =	vld.idx.msk [tilespmem:v11+s3+$0x0], $0xffff  }
0xa6: {  	s23 =	sshra.s32 s24, $0x2;
	v16 =	vand.u32 $0x7FFFFFFF, v7;
	v14 =	vsub.f32 v19, v15;
	v15 =	vand.u32 $0x7FFFFFFF, v5;
	v10 =	vld.idx.msk [tilespmem:v10+s3+$0x0], $0xffff  }
0xa7: {  	v8 =	vand.u32 $0x7FFFFFFF, v8;
	v18 =	vand.u32 $0x7FFFFFFF, v6;
	v4 =	vand.u32 $0x7FFFFFFF, v4;
	v5 =	vld [tilespmem:s23+$0xC0]  }
0xa8: {  	v16 =	vmul.f32 v16, v21;
	v15 =	vmul.f32 v15, v20;
	v9 =	vand.u32 $0x7FFFFFFF, v9;
	v7 =	vld [tilespmem:s23+$0xD0]  }
0xa9: {  	v19 =	vmul.f32 v8, v22;
	v20 =	vmul.f32 v4, v25;
	v8 =	vand.u32 $0x7FFFFFFF, v14;
	v6 =	vld [tilespmem:s23+$0xE0]  }
0xaa: {  	v14 =	vand.u32 $0x7FFFFFFF, v17;
	v12 =	vmul.f32 v9, v12;
	v13 =	vmul.f32 v8, v13;
	v4 =	vld [tilespmem:s23+$0xF0]  }
0xab: {  	v2 =	vadd.f32 v19, v2;
	v3 =	vadd.f32 v20, v3;
	v11 =	vmul.f32 v18, v11;
	v8 =	vld [tilespmem:s23+$0x80]  }
0xac: {  	v1 =	vadd.f32 v12, v1;
	v0 =	vadd.f32 v13, v0;
	v10 =	vmul.f32 v14, v10;
	v9 =	vld [tilespmem:s23+$0x90]  }
0xad: {  	v2 =	vadd.f32 v15, v2;
	v3 =	vadd.f32 v16, v3;
	v12 =	vld [tilespmem:s23+$0xC8C0]  }
0xae: {  	v1 =	vadd.f32 v11, v1;
	v0 =	vadd.f32 v10, v0;
	v13 =	vld [tilespmem:s23+$0xC8D0]  }
.Ltmp2:
0xaf: {  	v11 =	vld [tilespmem:s23+$0xC8E0];
	(pc) =	sbr.rel @p0 .LBB2_6-.Ltmp2, $4  }
0xb0: {  	v10 =	vld [tilespmem:s23+$0xC8F0]  }
0xb1: {  	v15 =	vld [tilespmem:s23+$0xC880]  }
0xb2: {  	v16 =	vld [tilespmem:s23+$0xC890]  }
0xb3: {  	s24 =	sadd.s32 $0x200, s24;
	v14 =	vld [tilespmem:s23+$0xC8A0]  }
0xb4: {  	_ =	sdelay $0x1  }
0xb5: {  	v17 =	vld [tilespmem:s23+$0xC8B0]  }
0xb6: {  	v18 =	vld [tilespmem:s23+$0xA0]  }
0xb7: {  	v19 =	vld [tilespmem:s23+$0xB0];
	v52 =	vcvt.s32.f32 v12  }
0xb8: {  	v20 =	vld.idx.msk [tilespmem:v12+s3+$0x0], $0xffff;
	v53 =	vcvt.s32.f32 v13;
	v22 =	vcvt.s32.f32 v11  }
0xb9: {  	v59 =	vcvt.s32.f32 v10;
	v23 =	vld.idx.msk [tilespmem:v15+s3+$0x0], $0xffff;
	v54 =	vcvt.s32.f32 v15  }
0xba: {  	v5 =	vsub.f32 v5, v52;
	v7 =	vsub.f32 v7, v53;
	v24 =	vcvt.s32.f32 v16;
	v55 =	vld.idx.msk [tilespmem:v16+s3+$0x0], $0xffff  }
0xbb: {  	v6 =	vsub.f32 v6, v22;
	v4 =	vsub.f32 v4, v59;
	v56 =	vcvt.s32.f32 v14;
	v57 =	vld.idx.msk [tilespmem:v14+s3+$0x0], $0xffff  }
0xbc: {  	v21 =	vld.idx.msk [tilespmem:v13+s3+$0x0], $0xffff;
	v8 =	vsub.f32 v8, v54;
	v5 =	vand.u32 $0x7FFFFFFF, v5;
	v9 =	vsub.f32 v9, v24  }
0xbd: {  	v60 =	vld.idx.msk [tilespmem:v11+s3+$0x0], $0xffff;
	v7 =	vand.u32 $0x7FFFFFFF, v7;
	v6 =	vand.u32 $0x7FFFFFFF, v6;
	v12 =	vsub.f32 v18, v56  }
0xbe: {  	v58 =	vcvt.s32.f32 v17;
	v8 =	vand.u32 $0x7FFFFFFF, v8;
	v9 =	vand.u32 $0x7FFFFFFF, v9;
	v17 =	vld.idx.msk [tilespmem:v17+s3+$0x0], $0xffff  }
0xbf: {  	v8 =	vmul.f32 v8, v23;
	v12 =	vand.u32 $0x7FFFFFFF, v12;
	v9 =	vmul.f32 v9, v55  }
0xc0: {  	v61 =	vld.idx.msk [tilespmem:v10+s3+$0x0], $0xffff;
	v5 =	vmul.f32 v5, v20;
	v14 =	vsub.f32 v19, v58;
	v12 =	vmul.f32 v12, v57  }
0xc1: {  	v7 =	vmul.f32 v7, v21;
	v2 =	vadd.f32 v8, v2;
	v3 =	vadd.f32 v9, v3  }
0xc2: {  	v6 =	vmul.f32 v6, v60;
	v62 =	vand.u32 $0x7FFFFFFF, v14;
	v1 =	vadd.f32 v12, v1  }
0xc3: {  	v2 =	vadd.f32 v5, v2;
	v3 =	vadd.f32 v7, v3;
	v63 =	vmul.f32 v62, v17  }
0xc4: {  	v4 =	vand.u32 $0x7FFFFFFF, v4;
	v1 =	vadd.f32 v6, v1  }
0xc5: {  	v4 =	vmul.f32 v4, v61;
	v2 =	vadd.f32 v3, v2;
	v0 =	vadd.f32 v63, v0;
	_ =	sdelay $0x1  }
0xc6: {  	v1 =	vadd.f32 v1, v2;
	v0 =	vadd.f32 v4, v0;
	_ =	sdelay $0x1  }
0xc7: {  	s22 =	sadd.s32 $0x1, s22;
	v0 =	vadd.f32 v0, v1  }
0xc8: {  	p0 =	sne.s32 s22, s11  }
.Ltmp3:
0xc9: {  	[tilespmem:$0x19080] =	vst v0;
	(pc) =	sbr.rel @p0 .LBB2_1-.Ltmp3, $4  }
0xca: {  	[hbm4b:s10+s3] =	stream.linear.scatter [tilespmem:s21], [sflag:$0x3], $0x80, $0x38;
	[tilespmem:$0x19100] =	vst v63  }
0xcb: {  	_ =	swait.ge [sflag:s12], $0x80  }
0xcc: {  	[sflag:s12] =	ssyncset.done $0x0  }
0xcd: {  	[sflag:s12] =	ssyncadd.s32 $0xFFFFFF80  }
0xce: {  	_ =	sfence.sel $0x180000  }
0xcf: {  	[bflag:$0x0] =	sbarrier.arrive $0xFFFF  }
0xd0: {  	p0 =	sne.s32 s0, $0x0;
	_ =	strace $0x90000047  }
0xd1: {  	s0 =	sadd.s32 @!p0 $0x100000, s1;
	[bflag:$0x2] =	sbarrier.arrive $0xFFFF  }
0xd2: {  	[sflag:s0] =	ssyncadd.tile.s32 @!p0 $0x1;
	_ =	shalt  }
.Lfunc_end2:
_tile_overlayer_lowered:
.L_overlay_start_2:
0xd3: {  	(tag) =	ssettag $0x2  }
0xd4: {  	s0 =	rddreg [dreg:$0x0];
	s2 =	stileid.u32  }
0xd5: {  	s1 =	rddreg [dreg:$0x1];
	p0 =	sne.s32 s2, $0x0  }
0xd6: {  	s3 =	rddreg [dreg:$0x2];
	[bflag:$0x3] =	sbarrier.arrive $0xFFFF;
	s2 =	simm.s32 @!p0 $0x1C03  }
0xd7: {  	[timem:s3], [sflag:s2] =	dma.local @!p0 [hbm:s0], s1  }
0xd8: {  	s0 =	simm.s32 @!p0 $0x3  }
0xd9: {  	_ =	swait.ge @!p0 [sflag:s0], s1  }
0xda: {  	s1 =	ssub.s32 @!p0 $0x0, s1;
	[sflag:s0] =	ssyncset.done @!p0 $0x0  }
0xdb: {  	[sflag:s0] =	ssyncadd.s32 @!p0 s1  }
0xdc: {  	[bflag:$0x3] =	sbarrier.arrive $0xFFFF  }
0xdd: {  	_ =	shalt  }

</sc_bundles>
